<compile_context>
chip_gen: v7x
topology: tpu7x:2x2x1
jax: 0.10.2.dev20260603
libtpu: 0.0.44.dev20260713+nightly
codegen_flags: <defaults>
</compile_context>

<pallas_src>
import functools

import jax
import jax.numpy as jnp
from jax import lax
from jax.experimental import pallas as pl
from jax.experimental.pallas import tpu as pltpu
from jax.experimental.pallas import tpu_sc as plsc

MUL = 8
FC_IN = 16
FC_HID = 64
WNUM = MUL * MUL * MUL
ACT_CST = 1.679
NUM_NEIGHBORS = 16.0

NC, NS = 2, 16
NW = NC * NS
CHUNK = 128

_MESH = dict(core_axis_name="c", subcore_axis_name="s")


@functools.lru_cache(maxsize=None)
def _gather_fn(E_pad, N):
    mesh = plsc.VectorSubcoreMesh(**_MESH)
    epw = E_pad // NW

    @functools.partial(
        pl.kernel,
        out_type=(
            jax.ShapeDtypeStruct((E_pad, MUL), jnp.float32),
            jax.ShapeDtypeStruct((E_pad, MUL), jnp.float32),
        ),
        mesh=mesh,
        scratch_types=[
            pltpu.VMEM((epw,), jnp.int32),
            pltpu.VMEM((epw,), jnp.int32),
            pltpu.VMEM((epw, MUL), jnp.float32),
            pltpu.VMEM((epw, MUL), jnp.float32),
            pltpu.VMEM_SHARED((N, MUL), jnp.float32),
            pltpu.SemaphoreType.DMA,
        ],
        compiler_params=pltpu.CompilerParams(use_tc_tiling_on_sc=False),
    )
    def k(src_hbm, dst_hbm, emb_hbm, src_out, dst_out,
          sidx, didx, srows, drows, emb_sh, sem):
        sid = lax.axis_index("s")
        wid = sid * NC + lax.axis_index("c")
        base = wid * epw
        rps = N // NS
        pltpu.sync_copy(emb_hbm.at[pl.ds(sid * rps, rps)],
                        emb_sh.at[pl.ds(sid * rps, rps)])
        pltpu.sync_copy(src_hbm.at[pl.ds(base, epw)], sidx)
        pltpu.sync_copy(dst_hbm.at[pl.ds(base, epw)], didx)
        plsc.subcore_barrier()
        c1 = pltpu.async_copy(emb_sh.at[sidx], srows, sem)
        c2 = pltpu.async_copy(emb_sh.at[didx], drows, sem)
        c1.wait()
        c2.wait()
        pltpu.sync_copy(srows, src_out.at[pl.ds(base, epw)])
        pltpu.sync_copy(drows, dst_out.at[pl.ds(base, epw)])

    return k


@functools.lru_cache(maxsize=None)
def _scatter_fn(N, cpw):
    mesh = plsc.VectorSubcoreMesh(**_MESH)
    epw = cpw * CHUNK

    @functools.partial(
        pl.kernel,
        out_type=jax.ShapeDtypeStruct((NC, N, MUL), jnp.float32),
        mesh=mesh,
        scratch_types=[
            pltpu.VMEM((cpw, CHUNK), jnp.int32),
            pltpu.VMEM((epw, MUL), jnp.float32),
            pltpu.VMEM_SHARED((N, MUL), jnp.float32),
            pltpu.SemaphoreType.DMA,
        ],
        compiler_params=pltpu.CompilerParams(use_tc_tiling_on_sc=False),
    )
    def k(didx_hbm, msg_hbm, zero_hbm, out_hbm, idxv, msgv, acc, sem):
        cid = lax.axis_index("c")
        sid = lax.axis_index("s")
        wid = sid * NC + cid

        rps = N // NS
        pltpu.sync_copy(zero_hbm.at[pl.ds(sid * rps, rps)],
                        acc.at[pl.ds(sid * rps, rps)])
        pltpu.sync_copy(didx_hbm.at[wid], idxv)
        pltpu.sync_copy(msg_hbm.at[pl.ds(wid * epw, epw)], msgv)
        plsc.subcore_barrier()

        def body(j, carry):
            pltpu.sync_copy(msgv.at[pl.ds(j * CHUNK, CHUNK)],
                            acc.at[idxv.at[j]], add=True)
            return carry

        lax.fori_loop(0, cpw, body, 0)
        plsc.subcore_barrier()

        pltpu.sync_copy(acc.at[pl.ds(sid * rps, rps)],
                        out_hbm.at[cid].at[pl.ds(sid * rps, rps)])

    return k


def _dense_body(et_ref, x_ref, y_ref, w1_ref, w2_ref,
                lm_ref, pm_ref, bsel_ref, qx_ref, qy_ref, selk_ref,
                out_ref):
    et = et_ref[...]
    h = jax.nn.silu(
        jnp.dot(et, w1_ref[...], preferred_element_type=jnp.float32) * 0.25
    ) * ACT_CST

    bf = jnp.bfloat16
    w = jnp.dot(h.astype(bf), w2_ref[...],
                preferred_element_type=jnp.float32)
    lm = lm_ref[...]
    bsel = bsel_ref[...]
    tx = jnp.dot(lm, x_ref[...].astype(bf),
                 preferred_element_type=jnp.float32).astype(bf) * bsel
    ty = jnp.dot(lm, y_ref[...].astype(bf),
                 preferred_element_type=jnp.float32).astype(bf) * bsel
    xe = jnp.dot(tx, qx_ref[...], preferred_element_type=jnp.float32)
    ye = jnp.dot(ty, qy_ref[...], preferred_element_type=jnp.float32)
    prod = w * xe * ye
    m128 = jnp.dot(prod.astype(bf), selk_ref[...],
                   preferred_element_type=jnp.float32)
    out_ref[...] = jnp.dot(pm_ref[...], (m128 * bsel).astype(bf),
                           preferred_element_type=jnp.float32)


def _dense_consts(B):
    scale = 1.0 / (8.0 * MUL * float(NUM_NEIGHBORS) ** 0.5)
    e = jnp.arange(B, dtype=jnp.int32)
    r = jnp.arange(B // 16, dtype=jnp.int32)
    l = jnp.arange(128, dtype=jnp.int32)
    m = jnp.arange(WNUM, dtype=jnp.int32)
    bf = jnp.bfloat16
    lm = (e[:, None] // 16 == r[None, :]).astype(bf)
    pm = (r[:, None] == e[None, :] // 16).astype(bf)
    bsel = (l[None, :] // MUL == e[:, None] % 16).astype(bf)
    qx = (l[:, None] % MUL == m[None, :] // (MUL * MUL)).astype(bf)
    qy = (l[:, None] % MUL == (m[None, :] // MUL) % MUL).astype(bf)
    selk = (m[:, None] % MUL == l[None, :] % MUL).astype(bf) * bf(scale)
    return lm, pm, bsel, qx, qy, selk


def _dense_fn(E_pad, B):
    grid = E_pad // B
    R = B * MUL // 128
    return pl.pallas_call(
        _dense_body,
        grid=(grid,),
        in_specs=[
            pl.BlockSpec((B, FC_IN), lambda i: (i, 0)),
            pl.BlockSpec((R, 128), lambda i: (i, 0)),
            pl.BlockSpec((R, 128), lambda i: (i, 0)),
            pl.BlockSpec((FC_IN, FC_HID), lambda i: (0, 0)),
            pl.BlockSpec((FC_HID, WNUM), lambda i: (0, 0)),
            pl.BlockSpec((B, R), lambda i: (0, 0)),
            pl.BlockSpec((R, B), lambda i: (0, 0)),
            pl.BlockSpec((B, 128), lambda i: (0, 0)),
            pl.BlockSpec((128, WNUM), lambda i: (0, 0)),
            pl.BlockSpec((128, WNUM), lambda i: (0, 0)),
            pl.BlockSpec((WNUM, 128), lambda i: (0, 0)),
        ],
        out_specs=pl.BlockSpec((R, 128), lambda i: (i, 0)),
        out_shape=jax.ShapeDtypeStruct((E_pad * MUL // 128, 128), jnp.float32),
        compiler_params=pltpu.CompilerParams(
            dimension_semantics=("parallel",)),
    )


def _combine_body(p_ref, o_ref):
    o_ref[...] = p_ref[0] + p_ref[1]


def _combine_fn(N):
    return pl.pallas_call(
        _combine_body,
        out_shape=jax.ShapeDtypeStruct((N, MUL), jnp.float32),
    )


def kernel(edge_src, edge_dst, node_emb, edge_type, W1, W2):
    E = edge_src.shape[0]
    N = node_emb.shape[1]
    quantum = NW * CHUNK
    E_pad = ((E + quantum - 1) // quantum) * quantum
    cpw = E_pad // quantum
    pad = E_pad - E

    pad_idx = jnp.arange(pad, dtype=jnp.int32) % N
    src_p = jnp.concatenate([edge_src, pad_idx])
    dst_p = jnp.concatenate([edge_dst, pad_idx])
    et_p = jnp.concatenate(
        [edge_type, jnp.zeros((pad, edge_type.shape[1]), edge_type.dtype)])
    emb = node_emb[0]

    src_emb, dst_emb = _gather_fn(E_pad, N)(src_p, dst_p, emb)
    xp = src_emb.reshape(E_pad * MUL // 128, 128)
    yp = dst_emb.reshape(E_pad * MUL // 128, 128)

    msgs = _dense_fn(E_pad, 2048)(et_p, xp, yp, W1,
                                  W2.astype(jnp.bfloat16), *_dense_consts(2048))

    partials = _scatter_fn(N, cpw)(
        dst_p.reshape(NW, cpw, CHUNK), msgs.reshape(E_pad, MUL),
        jnp.zeros((N, MUL), jnp.float32))

    out = _combine_fn(N)(partials)
    return out.reshape(node_emb.shape)

# --- scband reference (transcript-rebuilt; emitter-appended) ---
"""Pipeline reference for scband-convolution-v1-13099650253153 (READ-ONLY COPY).

The authoritative reference and input builder live on the scoring server;
editing this copy changes nothing except your own understanding.
"""

import jax, jax.numpy as jnp
import numpy as np

N = 10000
E = 160000
MUL = 8          # multiplicity of 8x0e irreps (scalar only)
FC_IN = 16
FC_HID = 64
WNUM = MUL * MUL * MUL  # weight_numel of FullyConnectedTensorProduct(8x0e x 8x0e -> 8x0e, uvw)
NUM_NEIGHBORS = 16.0
ACT_CST = 1.679  # e3nn normalize2mom constant for silu


def _act(x):
    return jax.nn.silu(x) * ACT_CST


def setup_inputs(seed: int = 0) -> dict:
    key = jax.random.key(seed)
    ks = jax.random.split(key, 6)
    edge_src = jax.random.randint(ks[0], (E,), 0, N, dtype=jnp.int32)
    edge_dst = jax.random.randint(ks[1], (E,), 0, N, dtype=jnp.int32)
    node_emb = jax.random.normal(ks[2], (1, N, MUL), dtype=jnp.float32)
    edge_type = jax.random.normal(ks[3], (E, FC_IN), dtype=jnp.float32)
    # learned parameters (e3nn FullyConnectedNet layers: FC_IN -> FC_HID -> WNUM)
    W1 = jax.random.normal(ks[4], (FC_IN, FC_HID), dtype=jnp.float32)
    W2 = jax.random.normal(ks[5], (FC_HID, WNUM), dtype=jnp.float32)
    return {"edge_src": edge_src, "edge_dst": edge_dst, "node_emb": node_emb,
            "edge_type": edge_type, "W1": W1, "W2": W2}


def reference(edge_src, edge_dst, node_emb, edge_type, W1, W2):
    # FullyConnectedNet([16, 64, 512], silu): variance-normalized linear layers,
    # activation on all but the last layer.
    h = _act(jnp.dot(edge_type, W1) / jnp.sqrt(float(FC_IN)))
    weight = jnp.dot(h, W2) / jnp.sqrt(float(FC_HID))          # [E, 512]
    weight = weight.reshape(E, MUL, MUL, MUL)                   # [E, i, j, k]

    # gather endpoint embeddings
    src_emb = node_emb[:, edge_src]                             # [1, E, 8]
    dst_emb = node_emb[:, edge_dst]                             # [1, E, 8]

    # FullyConnectedTensorProduct for scalar irreps (uvw instruction):
    # out_k = sum_ij w_ijk * x_i * y_j / sqrt(mul1 * mul2)
    edge_message = jnp.einsum('bei,bej,eijk->bek', src_emb, dst_emb, weight) / float(MUL)

    # scatter-sum over destination nodes, then divide by sqrt(num_neighbors)
    out = jnp.zeros_like(node_emb).at[:, edge_dst, :].add(edge_message)
    out = out / jnp.sqrt(NUM_NEIGHBORS)
    return out

if __name__ == "__main__":
    import jax
    _d = setup_inputs()
    print(jax.jit(kernel)(*tuple(_d.values())))

</pallas_src>

<mosaic_0001>
#map = affine_map<(d0, d1) -> (0)>
#map1 = affine_map<(d0, d1) -> (0, 0)>
module attributes {stable_mosaic.version = 14 : i64} {
  func.func @k(%arg0: i32, %arg1: i32, %arg2: memref<163840xi32, #tpu.memory_space<hbm>>, %arg3: memref<163840xi32, #tpu.memory_space<hbm>>, %arg4: memref<10000x8xf32, #tpu.memory_space<hbm>>, %arg5: memref<163840x8xf32, #tpu.memory_space<hbm>>, %arg6: memref<163840x8xf32, #tpu.memory_space<hbm>>, %arg7: memref<5120xi32, #tpu.memory_space<vmem>>, %arg8: memref<5120xi32, #tpu.memory_space<vmem>>, %arg9: memref<5120x8xf32, #tpu.memory_space<vmem>>, %arg10: memref<5120x8xf32, #tpu.memory_space<vmem>>, %arg11: memref<10000x8xf32, #tpu.memory_space<vmem_shared>>, %arg12: memref<!tpu.dma_semaphore, #tpu.memory_space<semaphore_mem>>) attributes {dimension_semantics = [#tpu.dimension_semantics<core_parallel>, #tpu.dimension_semantics<subcore_parallel>], iteration_bounds = array<i64: 2, 16>, scalar_prefetch = 0 : i64, scratch_operands = 6 : i64, tpu.core_type = #tpu.core_type<sc_vector_subcore>, window_params = [{transform_indices = #map}, {transform_indices = #map}, {transform_indices = #map1}, {transform_indices = #map1}, {transform_indices = #map1}]} {
    %mul3A = arith.constant 2 : i32
    %mul3A_0 = arith.muli %arg1, %mul3A : i32
    %add3A = arith.addi %mul3A_0, %arg0 : i32
    %mul3A_1 = arith.constant 5120 : i32
    %mul3A_2 = arith.muli %add3A, %mul3A_1 : i32
    %mul3A_3 = arith.constant 625 : i32
    %mul3A_4 = arith.muli %arg1, %mul3A_3 : i32
    %mul3A_5 = arith.constant 625 : i32
    %mul3A_6 = arith.muli %arg1, %mul3A_5 : i32
    "tpu.region"() ({
      %run_scoped3A = tpu.sem_alloc : memref<!tpu.dma_semaphore, #tpu.memory_space<semaphore_mem>>
      %dma_start3A_17 = arith.constant 0 : i32
      %dma_start3A_18 = tpu.memref_slice %arg11[%mul3A_6, %dma_start3A_17] : memref<10000x8xf32, #tpu.memory_space<vmem_shared>> -> memref<625x8xf32, #tpu.memory_space<vmem_shared>>
      %dma_start3A_19 = arith.constant 0 : i32
      %dma_start3A_20 = tpu.memref_slice %arg4[%mul3A_4, %dma_start3A_19] : memref<10000x8xf32, #tpu.memory_space<hbm>> -> memref<625x8xf32, #tpu.memory_space<hbm>>
      tpu.enqueue_dma source(%dma_start3A_20 : memref<625x8xf32, #tpu.memory_space<hbm>>) target(%dma_start3A_18 : memref<625x8xf32, #tpu.memory_space<vmem_shared>>) target_semaphore(%run_scoped3A : memref<!tpu.dma_semaphore, #tpu.memory_space<semaphore_mem>>)
      %dma_wait3A_21 = arith.constant 0 : i32
      %dma_wait3A_22 = tpu.memref_slice %arg11[%mul3A_6, %dma_wait3A_21] : memref<10000x8xf32, #tpu.memory_space<vmem_shared>> -> memref<625x8xf32, #tpu.memory_space<vmem_shared>>
      %dma_wait3A_23 = arith.constant 0 : i32
      %dma_wait3A_24 = tpu.memref_slice %arg4[%mul3A_4, %dma_wait3A_23] : memref<10000x8xf32, #tpu.memory_space<hbm>> -> memref<625x8xf32, #tpu.memory_space<hbm>>
      tpu.wait_dma2 semaphore(%run_scoped3A : memref<!tpu.dma_semaphore, #tpu.memory_space<semaphore_mem>>) src(%dma_wait3A_24 : memref<625x8xf32, #tpu.memory_space<hbm>>) dst(%dma_wait3A_22 : memref<625x8xf32, #tpu.memory_space<vmem_shared>>)
      tpu.yield
    }) : () -> ()
    "tpu.region"() ({
      %run_scoped3A = tpu.sem_alloc : memref<!tpu.dma_semaphore, #tpu.memory_space<semaphore_mem>>
      %dma_start3A_17 = tpu.memref_slice %arg2[%mul3A_2] : memref<163840xi32, #tpu.memory_space<hbm>> -> memref<5120xi32, #tpu.memory_space<hbm>>
      %dma_start3A_18 = tpu.memref_slice %arg2[%mul3A_2] : memref<163840xi32, #tpu.memory_space<hbm>> -> memref<5120xi32, #tpu.memory_space<hbm>>
      tpu.enqueue_dma source(%dma_start3A_18 : memref<5120xi32, #tpu.memory_space<hbm>>) target(%arg7 : memref<5120xi32, #tpu.memory_space<vmem>>) target_semaphore(%run_scoped3A : memref<!tpu.dma_semaphore, #tpu.memory_space<semaphore_mem>>)
      %dma_wait3A_19 = tpu.memref_slice %arg2[%mul3A_2] : memref<163840xi32, #tpu.memory_space<hbm>> -> memref<5120xi32, #tpu.memory_space<hbm>>
      %dma_wait3A_20 = tpu.memref_slice %arg2[%mul3A_2] : memref<163840xi32, #tpu.memory_space<hbm>> -> memref<5120xi32, #tpu.memory_space<hbm>>
      tpu.wait_dma2 semaphore(%run_scoped3A : memref<!tpu.dma_semaphore, #tpu.memory_space<semaphore_mem>>) src(%dma_wait3A_20 : memref<5120xi32, #tpu.memory_space<hbm>>) dst(%arg7 : memref<5120xi32, #tpu.memory_space<vmem>>)
      tpu.yield
    }) : () -> ()
    "tpu.region"() ({
      %run_scoped3A = tpu.sem_alloc : memref<!tpu.dma_semaphore, #tpu.memory_space<semaphore_mem>>
      %dma_start3A_17 = tpu.memref_slice %arg3[%mul3A_2] : memref<163840xi32, #tpu.memory_space<hbm>> -> memref<5120xi32, #tpu.memory_space<hbm>>
      %dma_start3A_18 = tpu.memref_slice %arg3[%mul3A_2] : memref<163840xi32, #tpu.memory_space<hbm>> -> memref<5120xi32, #tpu.memory_space<hbm>>
      tpu.enqueue_dma source(%dma_start3A_18 : memref<5120xi32, #tpu.memory_space<hbm>>) target(%arg8 : memref<5120xi32, #tpu.memory_space<vmem>>) target_semaphore(%run_scoped3A : memref<!tpu.dma_semaphore, #tpu.memory_space<semaphore_mem>>)
      %dma_wait3A_19 = tpu.memref_slice %arg3[%mul3A_2] : memref<163840xi32, #tpu.memory_space<hbm>> -> memref<5120xi32, #tpu.memory_space<hbm>>
      %dma_wait3A_20 = tpu.memref_slice %arg3[%mul3A_2] : memref<163840xi32, #tpu.memory_space<hbm>> -> memref<5120xi32, #tpu.memory_space<hbm>>
      tpu.wait_dma2 semaphore(%run_scoped3A : memref<!tpu.dma_semaphore, #tpu.memory_space<semaphore_mem>>) src(%dma_wait3A_20 : memref<5120xi32, #tpu.memory_space<hbm>>) dst(%arg8 : memref<5120xi32, #tpu.memory_space<vmem>>)
      tpu.yield
    }) : () -> ()
    %barrier3A = arith.constant 0 : index
    tpu.barrier barrier_id(%barrier3A)
    %dma_start3A = arith.constant 0 : i32
    %dma_start3A_7 = arith.constant 0 : i32
    %dma_start3A_8 = tpu.memref_slice %arg11[%dma_start3A, %dma_start3A_7] : memref<10000x8xf32, #tpu.memory_space<vmem_shared>> -> memref<10000x8xf32, #tpu.memory_space<vmem_shared>>
    tpu.enqueue_indirect_dma source(%dma_start3A_8 : memref<10000x8xf32, #tpu.memory_space<vmem_shared>>) target(%arg9 : memref<5120x8xf32, #tpu.memory_space<vmem>>) offsets(%arg7 : memref<5120xi32, #tpu.memory_space<vmem>>) semaphore(%arg12 : memref<!tpu.dma_semaphore, #tpu.memory_space<semaphore_mem>>)
    %dma_start3A_9 = arith.constant 0 : i32
    %dma_start3A_10 = arith.constant 0 : i32
    %dma_start3A_11 = tpu.memref_slice %arg11[%dma_start3A_9, %dma_start3A_10] : memref<10000x8xf32, #tpu.memory_space<vmem_shared>> -> memref<10000x8xf32, #tpu.memory_space<vmem_shared>>
    tpu.enqueue_indirect_dma source(%dma_start3A_11 : memref<10000x8xf32, #tpu.memory_space<vmem_shared>>) target(%arg10 : memref<5120x8xf32, #tpu.memory_space<vmem>>) offsets(%arg8 : memref<5120xi32, #tpu.memory_space<vmem>>) semaphore(%arg12 : memref<!tpu.dma_semaphore, #tpu.memory_space<semaphore_mem>>)
    %dma_wait3A = arith.constant 0 : i32
    %dma_wait3A_12 = arith.constant 0 : i32
    %dma_wait3A_13 = tpu.memref_slice %arg11[%dma_wait3A, %dma_wait3A_12] : memref<10000x8xf32, #tpu.memory_space<vmem_shared>> -> memref<10000x8xf32, #tpu.memory_space<vmem_shared>>
    tpu.wait_indirect_dma semaphore(%arg12 : memref<!tpu.dma_semaphore, #tpu.memory_space<semaphore_mem>>) src(%dma_wait3A_13 : memref<10000x8xf32, #tpu.memory_space<vmem_shared>>) dst(%arg9 : memref<5120x8xf32, #tpu.memory_space<vmem>>)
    %dma_wait3A_14 = arith.constant 0 : i32
    %dma_wait3A_15 = arith.constant 0 : i32
    %dma_wait3A_16 = tpu.memref_slice %arg11[%dma_wait3A_14, %dma_wait3A_15] : memref<10000x8xf32, #tpu.memory_space<vmem_shared>> -> memref<10000x8xf32, #tpu.memory_space<vmem_shared>>
    tpu.wait_indirect_dma semaphore(%arg12 : memref<!tpu.dma_semaphore, #tpu.memory_space<semaphore_mem>>) src(%dma_wait3A_16 : memref<10000x8xf32, #tpu.memory_space<vmem_shared>>) dst(%arg10 : memref<5120x8xf32, #tpu.memory_space<vmem>>)
    "tpu.region"() ({
      %run_scoped3A = tpu.sem_alloc : memref<!tpu.dma_semaphore, #tpu.memory_space<semaphore_mem>>
      %dma_start3A_17 = arith.constant 0 : i32
      %dma_start3A_18 = tpu.memref_slice %arg5[%mul3A_2, %dma_start3A_17] : memref<163840x8xf32, #tpu.memory_space<hbm>> -> memref<5120x8xf32, #tpu.memory_space<hbm>>
      %dma_start3A_19 = arith.constant 0 : i32
      %dma_start3A_20 = tpu.memref_slice %arg5[%mul3A_2, %dma_start3A_19] : memref<163840x8xf32, #tpu.memory_space<hbm>> -> memref<5120x8xf32, #tpu.memory_space<hbm>>
      tpu.enqueue_dma source(%arg9 : memref<5120x8xf32, #tpu.memory_space<vmem>>) target(%dma_start3A_20 : memref<5120x8xf32, #tpu.memory_space<hbm>>) target_semaphore(%run_scoped3A : memref<!tpu.dma_semaphore, #tpu.memory_space<semaphore_mem>>)
      %dma_wait3A_21 = arith.constant 0 : i32
      %dma_wait3A_22 = tpu.memref_slice %arg5[%mul3A_2, %dma_wait3A_21] : memref<163840x8xf32, #tpu.memory_space<hbm>> -> memref<5120x8xf32, #tpu.memory_space<hbm>>
      %dma_wait3A_23 = arith.constant 0 : i32
      %dma_wait3A_24 = tpu.memref_slice %arg5[%mul3A_2, %dma_wait3A_23] : memref<163840x8xf32, #tpu.memory_space<hbm>> -> memref<5120x8xf32, #tpu.memory_space<hbm>>
      tpu.wait_dma2 semaphore(%run_scoped3A : memref<!tpu.dma_semaphore, #tpu.memory_space<semaphore_mem>>) src(%arg9 : memref<5120x8xf32, #tpu.memory_space<vmem>>) dst(%dma_wait3A_24 : memref<5120x8xf32, #tpu.memory_space<hbm>>)
      tpu.yield
    }) : () -> ()
    "tpu.region"() ({
      %run_scoped3A = tpu.sem_alloc : memref<!tpu.dma_semaphore, #tpu.memory_space<semaphore_mem>>
      %dma_start3A_17 = arith.constant 0 : i32
      %dma_start3A_18 = tpu.memref_slice %arg6[%mul3A_2, %dma_start3A_17] : memref<163840x8xf32, #tpu.memory_space<hbm>> -> memref<5120x8xf32, #tpu.memory_space<hbm>>
      %dma_start3A_19 = arith.constant 0 : i32
      %dma_start3A_20 = tpu.memref_slice %arg6[%mul3A_2, %dma_start3A_19] : memref<163840x8xf32, #tpu.memory_space<hbm>> -> memref<5120x8xf32, #tpu.memory_space<hbm>>
      tpu.enqueue_dma source(%arg10 : memref<5120x8xf32, #tpu.memory_space<vmem>>) target(%dma_start3A_20 : memref<5120x8xf32, #tpu.memory_space<hbm>>) target_semaphore(%run_scoped3A : memref<!tpu.dma_semaphore, #tpu.memory_space<semaphore_mem>>)
      %dma_wait3A_21 = arith.constant 0 : i32
      %dma_wait3A_22 = tpu.memref_slice %arg6[%mul3A_2, %dma_wait3A_21] : memref<163840x8xf32, #tpu.memory_space<hbm>> -> memref<5120x8xf32, #tpu.memory_space<hbm>>
      %dma_wait3A_23 = arith.constant 0 : i32
      %dma_wait3A_24 = tpu.memref_slice %arg6[%mul3A_2, %dma_wait3A_23] : memref<163840x8xf32, #tpu.memory_space<hbm>> -> memref<5120x8xf32, #tpu.memory_space<hbm>>
      tpu.wait_dma2 semaphore(%run_scoped3A : memref<!tpu.dma_semaphore, #tpu.memory_space<semaphore_mem>>) src(%arg10 : memref<5120x8xf32, #tpu.memory_space<vmem>>) dst(%dma_wait3A_24 : memref<5120x8xf32, #tpu.memory_space<hbm>>)
      tpu.yield
    }) : () -> ()
    return
  }
}

#map = affine_map<(d0, d1) -> (0, 0, 0)>
#map1 = affine_map<(d0, d1) -> (0, 0)>
module attributes {stable_mosaic.version = 14 : i64} {
  func.func @k(%arg0: i32, %arg1: i32, %arg2: memref<32x40x128xi32, #tpu.memory_space<hbm>>, %arg3: memref<163840x8xf32, #tpu.memory_space<hbm>>, %arg4: memref<10000x8xf32, #tpu.memory_space<hbm>>, %arg5: memref<2x10000x8xf32, #tpu.memory_space<hbm>>, %arg6: memref<40x128xi32, #tpu.memory_space<vmem>>, %arg7: memref<5120x8xf32, #tpu.memory_space<vmem>>, %arg8: memref<10000x8xf32, #tpu.memory_space<vmem_shared>>, %arg9: memref<!tpu.dma_semaphore, #tpu.memory_space<semaphore_mem>>) attributes {dimension_semantics = [#tpu.dimension_semantics<core_parallel>, #tpu.dimension_semantics<subcore_parallel>], iteration_bounds = array<i64: 2, 16>, scalar_prefetch = 0 : i64, scratch_operands = 4 : i64, tpu.core_type = #tpu.core_type<sc_vector_subcore>, window_params = [{transform_indices = #map}, {transform_indices = #map1}, {transform_indices = #map1}, {transform_indices = #map}]} {
    %mul3A = arith.constant 2 : i32
    %mul3A_0 = arith.muli %arg1, %mul3A : i32
    %add3A = arith.addi %mul3A_0, %arg0 : i32
    %mul3A_1 = arith.constant 625 : i32
    %mul3A_2 = arith.muli %arg1, %mul3A_1 : i32
    %mul3A_3 = arith.constant 625 : i32
    %mul3A_4 = arith.muli %arg1, %mul3A_3 : i32
    "tpu.region"() ({
      %run_scoped3A = tpu.sem_alloc : memref<!tpu.dma_semaphore, #tpu.memory_space<semaphore_mem>>
      %dma_start3A = arith.constant 0 : i32
      %dma_start3A_17 = tpu.memref_slice %arg8[%mul3A_4, %dma_start3A] : memref<10000x8xf32, #tpu.memory_space<vmem_shared>> -> memref<625x8xf32, #tpu.memory_space<vmem_shared>>
      %dma_start3A_18 = arith.constant 0 : i32
      %dma_start3A_19 = tpu.memref_slice %arg4[%mul3A_2, %dma_start3A_18] : memref<10000x8xf32, #tpu.memory_space<hbm>> -> memref<625x8xf32, #tpu.memory_space<hbm>>
      tpu.enqueue_dma source(%dma_start3A_19 : memref<625x8xf32, #tpu.memory_space<hbm>>) target(%dma_start3A_17 : memref<625x8xf32, #tpu.memory_space<vmem_shared>>) target_semaphore(%run_scoped3A : memref<!tpu.dma_semaphore, #tpu.memory_space<semaphore_mem>>)
      %dma_wait3A = arith.constant 0 : i32
      %dma_wait3A_20 = tpu.memref_slice %arg8[%mul3A_4, %dma_wait3A] : memref<10000x8xf32, #tpu.memory_space<vmem_shared>> -> memref<625x8xf32, #tpu.memory_space<vmem_shared>>
      %dma_wait3A_21 = arith.constant 0 : i32
      %dma_wait3A_22 = tpu.memref_slice %arg4[%mul3A_2, %dma_wait3A_21] : memref<10000x8xf32, #tpu.memory_space<hbm>> -> memref<625x8xf32, #tpu.memory_space<hbm>>
      tpu.wait_dma2 semaphore(%run_scoped3A : memref<!tpu.dma_semaphore, #tpu.memory_space<semaphore_mem>>) src(%dma_wait3A_22 : memref<625x8xf32, #tpu.memory_space<hbm>>) dst(%dma_wait3A_20 : memref<625x8xf32, #tpu.memory_space<vmem_shared>>)
      tpu.yield
    }) : () -> ()
    "tpu.region"() ({
      %run_scoped3A = tpu.sem_alloc : memref<!tpu.dma_semaphore, #tpu.memory_space<semaphore_mem>>
      %dma_start3A = arith.constant 0 : i32
      %dma_start3A_17 = arith.constant 0 : i32
      %dma_start3A_18 = tpu.memref_slice %arg2[%add3A, %dma_start3A, %dma_start3A_17] : memref<32x40x128xi32, #tpu.memory_space<hbm>> -> memref<1x40x128xi32, #tpu.memory_space<hbm>>
      %dma_start3A_19 = tpu.memref_squeeze %dma_start3A_18 : memref<1x40x128xi32, #tpu.memory_space<hbm>> -> memref<40x128xi32, #tpu.memory_space<hbm>>
      %dma_start3A_20 = arith.constant 0 : i32
      %dma_start3A_21 = arith.constant 0 : i32
      %dma_start3A_22 = tpu.memref_slice %arg2[%add3A, %dma_start3A_20, %dma_start3A_21] : memref<32x40x128xi32, #tpu.memory_space<hbm>> -> memref<1x40x128xi32, #tpu.memory_space<hbm>>
      %dma_start3A_23 = tpu.memref_squeeze %dma_start3A_22 : memref<1x40x128xi32, #tpu.memory_space<hbm>> -> memref<40x128xi32, #tpu.memory_space<hbm>>
      tpu.enqueue_dma source(%dma_start3A_23 : memref<40x128xi32, #tpu.memory_space<hbm>>) target(%arg6 : memref<40x128xi32, #tpu.memory_space<vmem>>) target_semaphore(%run_scoped3A : memref<!tpu.dma_semaphore, #tpu.memory_space<semaphore_mem>>)
      %dma_wait3A = arith.constant 0 : i32
      %dma_wait3A_24 = arith.constant 0 : i32
      %dma_wait3A_25 = tpu.memref_slice %arg2[%add3A, %dma_wait3A, %dma_wait3A_24] : memref<32x40x128xi32, #tpu.memory_space<hbm>> -> memref<1x40x128xi32, #tpu.memory_space<hbm>>
      %dma_wait3A_26 = tpu.memref_squeeze %dma_wait3A_25 : memref<1x40x128xi32, #tpu.memory_space<hbm>> -> memref<40x128xi32, #tpu.memory_space<hbm>>
      %dma_wait3A_27 = arith.constant 0 : i32
      %dma_wait3A_28 = arith.constant 0 : i32
      %dma_wait3A_29 = tpu.memref_slice %arg2[%add3A, %dma_wait3A_27, %dma_wait3A_28] : memref<32x40x128xi32, #tpu.memory_space<hbm>> -> memref<1x40x128xi32, #tpu.memory_space<hbm>>
      %dma_wait3A_30 = tpu.memref_squeeze %dma_wait3A_29 : memref<1x40x128xi32, #tpu.memory_space<hbm>> -> memref<40x128xi32, #tpu.memory_space<hbm>>
      tpu.wait_dma2 semaphore(%run_scoped3A : memref<!tpu.dma_semaphore, #tpu.memory_space<semaphore_mem>>) src(%dma_wait3A_30 : memref<40x128xi32, #tpu.memory_space<hbm>>) dst(%arg6 : memref<40x128xi32, #tpu.memory_space<vmem>>)
      tpu.yield
    }) : () -> ()
    %mul3A_5 = arith.constant 5120 : i32
    %mul3A_6 = arith.muli %add3A, %mul3A_5 : i32
    "tpu.region"() ({
      %run_scoped3A = tpu.sem_alloc : memref<!tpu.dma_semaphore, #tpu.memory_space<semaphore_mem>>
      %dma_start3A = arith.constant 0 : i32
      %dma_start3A_17 = tpu.memref_slice %arg3[%mul3A_6, %dma_start3A] : memref<163840x8xf32, #tpu.memory_space<hbm>> -> memref<5120x8xf32, #tpu.memory_space<hbm>>
      %dma_start3A_18 = arith.constant 0 : i32
      %dma_start3A_19 = tpu.memref_slice %arg3[%mul3A_6, %dma_start3A_18] : memref<163840x8xf32, #tpu.memory_space<hbm>> -> memref<5120x8xf32, #tpu.memory_space<hbm>>
      tpu.enqueue_dma source(%dma_start3A_19 : memref<5120x8xf32, #tpu.memory_space<hbm>>) target(%arg7 : memref<5120x8xf32, #tpu.memory_space<vmem>>) target_semaphore(%run_scoped3A : memref<!tpu.dma_semaphore, #tpu.memory_space<semaphore_mem>>)
      %dma_wait3A = arith.constant 0 : i32
      %dma_wait3A_20 = tpu.memref_slice %arg3[%mul3A_6, %dma_wait3A] : memref<163840x8xf32, #tpu.memory_space<hbm>> -> memref<5120x8xf32, #tpu.memory_space<hbm>>
      %dma_wait3A_21 = arith.constant 0 : i32
      %dma_wait3A_22 = tpu.memref_slice %arg3[%mul3A_6, %dma_wait3A_21] : memref<163840x8xf32, #tpu.memory_space<hbm>> -> memref<5120x8xf32, #tpu.memory_space<hbm>>
      tpu.wait_dma2 semaphore(%run_scoped3A : memref<!tpu.dma_semaphore, #tpu.memory_space<semaphore_mem>>) src(%dma_wait3A_22 : memref<5120x8xf32, #tpu.memory_space<hbm>>) dst(%arg7 : memref<5120x8xf32, #tpu.memory_space<vmem>>)
      tpu.yield
    }) : () -> ()
    %barrier3A = arith.constant 0 : index
    tpu.barrier barrier_id(%barrier3A)
    %scan3A = arith.constant 0 : i32
    %scan3A_7 = arith.constant 0 : i32
    %scan3A_8 = arith.constant 40 : i32
    %scan3A_9 = arith.addi %scan3A_7, %scan3A_8 : i32
    %scan3A_10 = arith.constant 1 : i32
    scf.for %scan3A_17 = %scan3A_7 to %scan3A_9 step %scan3A_10  : i32 {
      %mul3A_18 = arith.constant 128 : i32
      %mul3A_19 = arith.muli %scan3A_17, %mul3A_18 : i32
      "tpu.region"() ({
        %run_scoped3A = tpu.sem_alloc : memref<!tpu.dma_semaphore, #tpu.memory_space<semaphore_mem>>
        %dma_start3A = arith.constant 0 : i32
        %dma_start3A_20 = tpu.memref_slice %arg7[%mul3A_19, %dma_start3A] : memref<5120x8xf32, #tpu.memory_space<vmem>> -> memref<128x8xf32, #tpu.memory_space<vmem>>
        %dma_start3A_21 = arith.constant 0 : i32
        %dma_start3A_22 = tpu.memref_slice %arg6[%scan3A_17, %dma_start3A_21] : memref<40x128xi32, #tpu.memory_space<vmem>> -> memref<1x128xi32, #tpu.memory_space<vmem>>
        %dma_start3A_23 = tpu.memref_squeeze %dma_start3A_22 : memref<1x128xi32, #tpu.memory_space<vmem>> -> memref<128xi32, #tpu.memory_space<vmem>>
        %dma_start3A_24 = arith.constant 0 : i32
        %dma_start3A_25 = arith.constant 0 : i32
        %dma_start3A_26 = tpu.memref_slice %arg8[%dma_start3A_24, %dma_start3A_25] : memref<10000x8xf32, #tpu.memory_space<vmem_shared>> -> memref<10000x8xf32, #tpu.memory_space<vmem_shared>>
        tpu.enqueue_indirect_dma source(%dma_start3A_20 : memref<128x8xf32, #tpu.memory_space<vmem>>) target(%dma_start3A_26 : memref<10000x8xf32, #tpu.memory_space<vmem_shared>>) offsets(%dma_start3A_23 : memref<128xi32, #tpu.memory_space<vmem>>) semaphore(%run_scoped3A : memref<!tpu.dma_semaphore, #tpu.memory_space<semaphore_mem>>) {add = true}
        %dma_wait3A = arith.constant 0 : i32
        %dma_wait3A_27 = tpu.memref_slice %arg7[%mul3A_19, %dma_wait3A] : memref<5120x8xf32, #tpu.memory_space<vmem>> -> memref<128x8xf32, #tpu.memory_space<vmem>>
        %dma_wait3A_28 = arith.constant 0 : i32
        %dma_wait3A_29 = tpu.memref_slice %arg6[%scan3A_17, %dma_wait3A_28] : memref<40x128xi32, #tpu.memory_space<vmem>> -> memref<1x128xi32, #tpu.memory_space<vmem>>
        %dma_wait3A_30 = tpu.memref_squeeze %dma_wait3A_29 : memref<1x128xi32, #tpu.memory_space<vmem>> -> memref<128xi32, #tpu.memory_space<vmem>>
        %dma_wait3A_31 = arith.constant 0 : i32
        %dma_wait3A_32 = arith.constant 0 : i32
        %dma_wait3A_33 = tpu.memref_slice %arg8[%dma_wait3A_31, %dma_wait3A_32] : memref<10000x8xf32, #tpu.memory_space<vmem_shared>> -> memref<10000x8xf32, #tpu.memory_space<vmem_shared>>
        tpu.wait_indirect_dma semaphore(%run_scoped3A : memref<!tpu.dma_semaphore, #tpu.memory_space<semaphore_mem>>) src(%dma_wait3A_27 : memref<128x8xf32, #tpu.memory_space<vmem>>) dst(%dma_wait3A_33 : memref<10000x8xf32, #tpu.memory_space<vmem_shared>>)
        tpu.yield
      }) : () -> ()
    }
    %scan3A_11 = arith.constant 40 : i32
    %barrier3A_12 = arith.constant 0 : index
    tpu.barrier barrier_id(%barrier3A_12)
    %mul3A_13 = arith.constant 625 : i32
    %mul3A_14 = arith.muli %arg1, %mul3A_13 : i32
    %mul3A_15 = arith.constant 625 : i32
    %mul3A_16 = arith.muli %arg1, %mul3A_15 : i32
    "tpu.region"() ({
      %run_scoped3A = tpu.sem_alloc : memref<!tpu.dma_semaphore, #tpu.memory_space<semaphore_mem>>
      %dma_start3A = arith.constant 0 : i32
      %dma_start3A_17 = arith.constant 0 : i32
      %dma_start3A_18 = tpu.memref_slice %arg5[%arg0, %dma_start3A, %dma_start3A_17] : memref<2x10000x8xf32, #tpu.memory_space<hbm>> -> memref<1x10000x8xf32, #tpu.memory_space<hbm>>
      %dma_start3A_19 = tpu.memref_squeeze %dma_start3A_18 : memref<1x10000x8xf32, #tpu.memory_space<hbm>> -> memref<10000x8xf32, #tpu.memory_space<hbm>>
      %dma_start3A_20 = arith.constant 0 : i32
      %dma_start3A_21 = tpu.memref_slice %dma_start3A_19[%mul3A_16, %dma_start3A_20] : memref<10000x8xf32, #tpu.memory_space<hbm>> -> memref<625x8xf32, #tpu.memory_space<hbm>>
      %dma_start3A_22 = arith.constant 0 : i32
      %dma_start3A_23 = tpu.memref_slice %arg8[%mul3A_14, %dma_start3A_22] : memref<10000x8xf32, #tpu.memory_space<vmem_shared>> -> memref<625x8xf32, #tpu.memory_space<vmem_shared>>
      tpu.enqueue_dma source(%dma_start3A_23 : memref<625x8xf32, #tpu.memory_space<vmem_shared>>) target(%dma_start3A_21 : memref<625x8xf32, #tpu.memory_space<hbm>>) target_semaphore(%run_scoped3A : memref<!tpu.dma_semaphore, #tpu.memory_space<semaphore_mem>>)
      %dma_wait3A = arith.constant 0 : i32
      %dma_wait3A_24 = arith.constant 0 : i32
      %dma_wait3A_25 = tpu.memref_slice %arg5[%arg0, %dma_wait3A, %dma_wait3A_24] : memref<2x10000x8xf32, #tpu.memory_space<hbm>> -> memref<1x10000x8xf32, #tpu.memory_space<hbm>>
      %dma_wait3A_26 = tpu.memref_squeeze %dma_wait3A_25 : memref<1x10000x8xf32, #tpu.memory_space<hbm>> -> memref<10000x8xf32, #tpu.memory_space<hbm>>
      %dma_wait3A_27 = arith.constant 0 : i32
      %dma_wait3A_28 = tpu.memref_slice %dma_wait3A_26[%mul3A_16, %dma_wait3A_27] : memref<10000x8xf32, #tpu.memory_space<hbm>> -> memref<625x8xf32, #tpu.memory_space<hbm>>
      %dma_wait3A_29 = arith.constant 0 : i32
      %dma_wait3A_30 = tpu.memref_slice %arg8[%mul3A_14, %dma_wait3A_29] : memref<10000x8xf32, #tpu.memory_space<vmem_shared>> -> memref<625x8xf32, #tpu.memory_space<vmem_shared>>
      tpu.wait_dma2 semaphore(%run_scoped3A : memref<!tpu.dma_semaphore, #tpu.memory_space<semaphore_mem>>) src(%dma_wait3A_30 : memref<625x8xf32, #tpu.memory_space<vmem_shared>>) dst(%dma_wait3A_28 : memref<625x8xf32, #tpu.memory_space<hbm>>)
      tpu.yield
    }) : () -> ()
    return
  }
}

module attributes {stable_mosaic.version = 14 : i64} {
  func.func @_dense_body(%arg0: i32, %arg1: memref<2048x16xf32, #tpu.memory_space<vmem>>, %arg2: memref<128x128xf32, #tpu.memory_space<vmem>>, %arg3: memref<128x128xf32, #tpu.memory_space<vmem>>, %arg4: memref<16x64xf32, #tpu.memory_space<vmem>>, %arg5: memref<64x512xbf16, #tpu.memory_space<vmem>>, %arg6: memref<2048x128xbf16, #tpu.memory_space<vmem>>, %arg7: memref<128x2048xbf16, #tpu.memory_space<vmem>>, %arg8: memref<2048x128xbf16, #tpu.memory_space<vmem>>, %arg9: memref<128x512xbf16, #tpu.memory_space<vmem>>, %arg10: memref<128x512xbf16, #tpu.memory_space<vmem>>, %arg11: memref<512x128xbf16, #tpu.memory_space<vmem>>, %arg12: memref<128x128xf32, #tpu.memory_space<vmem>>) attributes {dimension_semantics = [#tpu.dimension_semantics<parallel>], iteration_bounds = array<i64: 80>, scalar_prefetch = 0 : i64, scratch_operands = 0 : i64, tpu.core_type = #tpu.core_type<tc>, window_params = [{transform_indices = @transform_0, window_bounds = array<i64: 2048, 16>}, {transform_indices = @transform_1, window_bounds = array<i64: 128, 128>}, {transform_indices = @transform_2, window_bounds = array<i64: 128, 128>}, {pipeline_mode = #tpu.pipeline_mode<synchronous>, transform_indices = @transform_3, window_bounds = array<i64: 16, 64>}, {pipeline_mode = #tpu.pipeline_mode<synchronous>, transform_indices = @transform_4, window_bounds = array<i64: 64, 512>}, {pipeline_mode = #tpu.pipeline_mode<synchronous>, transform_indices = @transform_5, window_bounds = array<i64: 2048, 128>}, {pipeline_mode = #tpu.pipeline_mode<synchronous>, transform_indices = @transform_6, window_bounds = array<i64: 128, 2048>}, {pipeline_mode = #tpu.pipeline_mode<synchronous>, transform_indices = @transform_7, window_bounds = array<i64: 2048, 128>}, {pipeline_mode = #tpu.pipeline_mode<synchronous>, transform_indices = @transform_8, window_bounds = array<i64: 128, 512>}, {pipeline_mode = #tpu.pipeline_mode<synchronous>, transform_indices = @transform_9, window_bounds = array<i64: 128, 512>}, {pipeline_mode = #tpu.pipeline_mode<synchronous>, transform_indices = @transform_10, window_bounds = array<i64: 512, 128>}, {transform_indices = @transform_11, window_bounds = array<i64: 128, 128>}]} {
    %get3A = arith.constant 0 : index
    %get3A_0 = arith.constant 0 : index
    %get3A_1 = vector.load %arg1[%get3A, %get3A_0] : memref<2048x16xf32, #tpu.memory_space<vmem>>, vector<2048x16xf32>
    %get3A_2 = arith.constant 0 : index
    %get3A_3 = arith.constant 0 : index
    %get3A_4 = vector.load %arg4[%get3A_2, %get3A_3] : memref<16x64xf32, #tpu.memory_space<vmem>>, vector<16x64xf32>
    %dot_general3A = arith.constant dense<0.000000e+00> : vector<2048x64xf32>
    %dot_general3A_5 = tpu.matmul %get3A_1, %get3A_4, %dot_general3A {dimension_numbers = #tpu.dot_dimension_numbers<[1], [0], [0], [1], [0, 0, 1, 1], [], []>, transpose_lhs_hint = false} : vector<2048x16xf32>, vector<16x64xf32>, vector<2048x64xf32> -> vector<2048x64xf32>
    %mul3A = arith.constant 2.500000e-01 : f32
    %mul3A_6 = vector.broadcast %mul3A : f32 to vector<2048x64xf32>
    %mul3A_7 = arith.mulf %dot_general3A_5, %mul3A_6 : vector<2048x64xf32>
    %logistic3A = arith.negf %mul3A_7 : vector<2048x64xf32>
    %logistic3A_8 = math.exp %logistic3A : vector<2048x64xf32>
    %logistic3A_9 = arith.constant 1.000000e+00 : f32
    %logistic3A_10 = vector.broadcast %logistic3A_9 : f32 to vector<2048x64xf32>
    %logistic3A_11 = arith.addf %logistic3A_10, %logistic3A_8 : vector<2048x64xf32>
    %logistic3A_12 = arith.divf %logistic3A_10, %logistic3A_11 : vector<2048x64xf32>
    %mul3A_13 = arith.mulf %mul3A_7, %logistic3A_12 : vector<2048x64xf32>
    %mul3A_14 = arith.constant 1.679000e+00 : f32
    %mul3A_15 = vector.broadcast %mul3A_14 : f32 to vector<2048x64xf32>
    %mul3A_16 = arith.mulf %mul3A_13, %mul3A_15 : vector<2048x64xf32>
    %convert_element_type3A = arith.truncf %mul3A_16 : vector<2048x64xf32> to vector<2048x64xbf16>
    %get3A_17 = arith.constant 0 : index
    %get3A_18 = arith.constant 0 : index
    %get3A_19 = vector.load %arg5[%get3A_17, %get3A_18] : memref<64x512xbf16, #tpu.memory_space<vmem>>, vector<64x512xbf16>
    %dot_general3A_20 = arith.constant dense<0.000000e+00> : vector<2048x512xf32>
    %dot_general3A_21 = tpu.matmul %convert_element_type3A, %get3A_19, %dot_general3A_20 {dimension_numbers = #tpu.dot_dimension_numbers<[1], [0], [0], [1], [0, 0, 1, 1], [], []>, transpose_lhs_hint = false} : vector<2048x64xbf16>, vector<64x512xbf16>, vector<2048x512xf32> -> vector<2048x512xf32>
    %get3A_22 = arith.constant 0 : index
    %get3A_23 = arith.constant 0 : index
    %get3A_24 = vector.load %arg6[%get3A_22, %get3A_23] : memref<2048x128xbf16, #tpu.memory_space<vmem>>, vector<2048x128xbf16>
    %get3A_25 = arith.constant 0 : index
    %get3A_26 = arith.constant 0 : index
    %get3A_27 = vector.load %arg8[%get3A_25, %get3A_26] : memref<2048x128xbf16, #tpu.memory_space<vmem>>, vector<2048x128xbf16>
    %get3A_28 = arith.constant 0 : index
    %get3A_29 = arith.constant 0 : index
    %get3A_30 = vector.load %arg2[%get3A_28, %get3A_29] : memref<128x128xf32, #tpu.memory_space<vmem>>, vector<128x128xf32>
    %convert_element_type3A_31 = arith.truncf %get3A_30 : vector<128x128xf32> to vector<128x128xbf16>
    %dot_general3A_32 = arith.constant dense<0.000000e+00> : vector<2048x128xf32>
    %dot_general3A_33 = tpu.matmul %get3A_24, %convert_element_type3A_31, %dot_general3A_32 {dimension_numbers = #tpu.dot_dimension_numbers<[1], [0], [0], [1], [0, 0, 1, 1], [], []>, transpose_lhs_hint = false} : vector<2048x128xbf16>, vector<128x128xbf16>, vector<2048x128xf32> -> vector<2048x128xf32>
    %convert_element_type3A_34 = arith.truncf %dot_general3A_33 : vector<2048x128xf32> to vector<2048x128xbf16>
    %mul3A_35 = arith.mulf %convert_element_type3A_34, %get3A_27 : vector<2048x128xbf16>
    %get3A_36 = arith.constant 0 : index
    %get3A_37 = arith.constant 0 : index
    %get3A_38 = vector.load %arg3[%get3A_36, %get3A_37] : memref<128x128xf32, #tpu.memory_space<vmem>>, vector<128x128xf32>
    %convert_element_type3A_39 = arith.truncf %get3A_38 : vector<128x128xf32> to vector<128x128xbf16>
    %dot_general3A_40 = arith.constant dense<0.000000e+00> : vector<2048x128xf32>
    %dot_general3A_41 = tpu.matmul %get3A_24, %convert_element_type3A_39, %dot_general3A_40 {dimension_numbers = #tpu.dot_dimension_numbers<[1], [0], [0], [1], [0, 0, 1, 1], [], []>, transpose_lhs_hint = false} : vector<2048x128xbf16>, vector<128x128xbf16>, vector<2048x128xf32> -> vector<2048x128xf32>
    %convert_element_type3A_42 = arith.truncf %dot_general3A_41 : vector<2048x128xf32> to vector<2048x128xbf16>
    %mul3A_43 = arith.mulf %convert_element_type3A_42, %get3A_27 : vector<2048x128xbf16>
    %get3A_44 = arith.constant 0 : index
    %get3A_45 = arith.constant 0 : index
    %get3A_46 = vector.load %arg9[%get3A_44, %get3A_45] : memref<128x512xbf16, #tpu.memory_space<vmem>>, vector<128x512xbf16>
    %dot_general3A_47 = arith.constant dense<0.000000e+00> : vector<2048x512xf32>
    %dot_general3A_48 = tpu.matmul %mul3A_35, %get3A_46, %dot_general3A_47 {dimension_numbers = #tpu.dot_dimension_numbers<[1], [0], [0], [1], [0, 0, 1, 1], [], []>, transpose_lhs_hint = false} : vector<2048x128xbf16>, vector<128x512xbf16>, vector<2048x512xf32> -> vector<2048x512xf32>
    %get3A_49 = arith.constant 0 : index
    %get3A_50 = arith.constant 0 : index
    %get3A_51 = vector.load %arg10[%get3A_49, %get3A_50] : memref<128x512xbf16, #tpu.memory_space<vmem>>, vector<128x512xbf16>
    %dot_general3A_52 = arith.constant dense<0.000000e+00> : vector<2048x512xf32>
    %dot_general3A_53 = tpu.matmul %mul3A_43, %get3A_51, %dot_general3A_52 {dimension_numbers = #tpu.dot_dimension_numbers<[1], [0], [0], [1], [0, 0, 1, 1], [], []>, transpose_lhs_hint = false} : vector<2048x128xbf16>, vector<128x512xbf16>, vector<2048x512xf32> -> vector<2048x512xf32>
    %mul3A_54 = arith.mulf %dot_general3A_21, %dot_general3A_48 : vector<2048x512xf32>
    %mul3A_55 = arith.mulf %mul3A_54, %dot_general3A_53 : vector<2048x512xf32>
    %convert_element_type3A_56 = arith.truncf %mul3A_55 : vector<2048x512xf32> to vector<2048x512xbf16>
    %get3A_57 = arith.constant 0 : index
    %get3A_58 = arith.constant 0 : index
    %get3A_59 = vector.load %arg11[%get3A_57, %get3A_58] : memref<512x128xbf16, #tpu.memory_space<vmem>>, vector<512x128xbf16>
    %dot_general3A_60 = arith.constant dense<0.000000e+00> : vector<2048x128xf32>
    %dot_general3A_61 = tpu.matmul %convert_element_type3A_56, %get3A_59, %dot_general3A_60 {dimension_numbers = #tpu.dot_dimension_numbers<[1], [0], [0], [1], [0, 0, 1, 1], [], []>, transpose_lhs_hint = false} : vector<2048x512xbf16>, vector<512x128xbf16>, vector<2048x128xf32> -> vector<2048x128xf32>
    %get3A_62 = arith.constant 0 : index
    %get3A_63 = arith.constant 0 : index
    %get3A_64 = vector.load %arg7[%get3A_62, %get3A_63] : memref<128x2048xbf16, #tpu.memory_space<vmem>>, vector<128x2048xbf16>
    %convert_element_type3A_65 = arith.extf %get3A_27 : vector<2048x128xbf16> to vector<2048x128xf32>
    %mul3A_66 = arith.mulf %dot_general3A_61, %convert_element_type3A_65 : vector<2048x128xf32>
    %convert_element_type3A_67 = arith.truncf %mul3A_66 : vector<2048x128xf32> to vector<2048x128xbf16>
    %dot_general3A_68 = arith.constant dense<0.000000e+00> : vector<128x128xf32>
    %dot_general3A_69 = tpu.matmul %get3A_64, %convert_element_type3A_67, %dot_general3A_68 {dimension_numbers = #tpu.dot_dimension_numbers<[1], [0], [0], [1], [0, 0, 1, 1], [], []>, transpose_lhs_hint = false} : vector<128x2048xbf16>, vector<2048x128xbf16>, vector<128x128xf32> -> vector<128x128xf32>
    %swap3A = arith.constant 0 : index
    %swap3A_70 = arith.constant 0 : index
    %swap3A_71 = vector.load %arg12[%swap3A, %swap3A_70] : memref<128x128xf32, #tpu.memory_space<vmem>>, vector<128x128xf32>
    tpu.vector_store %arg12[%swap3A, %swap3A_70], %dot_general3A_69 {strides = array<i32>} : memref<128x128xf32, #tpu.memory_space<vmem>>, vector<128x128xf32>,
    return
  }
  func.func @transform_0(%arg0: i32) -> (i32, i32) {
    %c0_i32 = arith.constant 0 : i32
    %c0_i32_0 = arith.constant 0 : i32
    return %arg0, %c0_i32 : i32, i32
  }
  func.func @transform_1(%arg0: i32) -> (i32, i32) {
    %c0_i32 = arith.constant 0 : i32
    %c0_i32_0 = arith.constant 0 : i32
    return %arg0, %c0_i32 : i32, i32
  }
  func.func @transform_2(%arg0: i32) -> (i32, i32) {
    %c0_i32 = arith.constant 0 : i32
    %c0_i32_0 = arith.constant 0 : i32
    return %arg0, %c0_i32 : i32, i32
  }
  func.func @transform_3(%arg0: i32) -> (i32, i32) {
    %c0_i32 = arith.constant 0 : i32
    %c0_i32_0 = arith.constant 0 : i32
    %c0_i32_1 = arith.constant 0 : i32
    return %c0_i32, %c0_i32_0 : i32, i32
  }
  func.func @transform_4(%arg0: i32) -> (i32, i32) {
    %c0_i32 = arith.constant 0 : i32
    %c0_i32_0 = arith.constant 0 : i32
    %c0_i32_1 = arith.constant 0 : i32
    return %c0_i32, %c0_i32_0 : i32, i32
  }
  func.func @transform_5(%arg0: i32) -> (i32, i32) {
    %c0_i32 = arith.constant 0 : i32
    %c0_i32_0 = arith.constant 0 : i32
    %c0_i32_1 = arith.constant 0 : i32
    return %c0_i32, %c0_i32_0 : i32, i32
  }
  func.func @transform_6(%arg0: i32) -> (i32, i32) {
    %c0_i32 = arith.constant 0 : i32
    %c0_i32_0 = arith.constant 0 : i32
    %c0_i32_1 = arith.constant 0 : i32
    return %c0_i32, %c0_i32_0 : i32, i32
  }
  func.func @transform_7(%arg0: i32) -> (i32, i32) {
    %c0_i32 = arith.constant 0 : i32
    %c0_i32_0 = arith.constant 0 : i32
    %c0_i32_1 = arith.constant 0 : i32
    return %c0_i32, %c0_i32_0 : i32, i32
  }
  func.func @transform_8(%arg0: i32) -> (i32, i32) {
    %c0_i32 = arith.constant 0 : i32
    %c0_i32_0 = arith.constant 0 : i32
    %c0_i32_1 = arith.constant 0 : i32
    return %c0_i32, %c0_i32_0 : i32, i32
  }
  func.func @transform_9(%arg0: i32) -> (i32, i32) {
    %c0_i32 = arith.constant 0 : i32
    %c0_i32_0 = arith.constant 0 : i32
    %c0_i32_1 = arith.constant 0 : i32
    return %c0_i32, %c0_i32_0 : i32, i32
  }
  func.func @transform_10(%arg0: i32) -> (i32, i32) {
    %c0_i32 = arith.constant 0 : i32
    %c0_i32_0 = arith.constant 0 : i32
    %c0_i32_1 = arith.constant 0 : i32
    return %c0_i32, %c0_i32_0 : i32, i32
  }
  func.func @transform_11(%arg0: i32) -> (i32, i32) {
    %c0_i32 = arith.constant 0 : i32
    %c0_i32_0 = arith.constant 0 : i32
    return %arg0, %c0_i32 : i32, i32
  }
}

module attributes {stable_mosaic.version = 14 : i64} {
  func.func @_combine_body(%arg0: memref<2x10000x8xf32, #tpu.memory_space<vmem>>, %arg1: memref<10000x8xf32, #tpu.memory_space<vmem>>) attributes {dimension_semantics = [], scalar_prefetch = 0 : i64, scratch_operands = 0 : i64, tpu.core_type = #tpu.core_type<tc>} {
    %get3A = arith.constant 0 : index
    %get3A_0 = arith.constant 0 : index
    %get3A_1 = arith.constant 0 : index
    %get3A_2 = vector.load %arg0[%get3A, %get3A_0, %get3A_1] : memref<2x10000x8xf32, #tpu.memory_space<vmem>>, vector<1x10000x8xf32>
    %get3A_3 = vector.shape_cast %get3A_2 : vector<1x10000x8xf32> to vector<10000x8xf32>
    %get3A_4 = arith.constant 1 : index
    %get3A_5 = arith.constant 0 : index
    %get3A_6 = arith.constant 0 : index
    %get3A_7 = vector.load %arg0[%get3A_4, %get3A_5, %get3A_6] : memref<2x10000x8xf32, #tpu.memory_space<vmem>>, vector<1x10000x8xf32>
    %get3A_8 = vector.shape_cast %get3A_7 : vector<1x10000x8xf32> to vector<10000x8xf32>
    %add3A = arith.addf %get3A_3, %get3A_8 : vector<10000x8xf32>
    %swap3A = arith.constant 0 : index
    %swap3A_9 = arith.constant 0 : index
    %swap3A_10 = vector.load %arg1[%swap3A, %swap3A_9] : memref<10000x8xf32, #tpu.memory_space<vmem>>, vector<10000x8xf32>
    tpu.vector_store %arg1[%swap3A, %swap3A_9], %add3A {strides = array<i32>} : memref<10000x8xf32, #tpu.memory_space<vmem>>, vector<10000x8xf32>,
    return
  }
}

</mosaic_0001>

<sc_bundles>
// kernel: kernel.6.cloned.1.call-start
scs
__scs_entry_jumppad:
0x0: {  	(pc) =	sbr.rel $0x88, $3  }
0x1: {  	(tag) =	ssettag $0x0;
	lr =	simm.s32 $0x1  }
0x2: {  	[smem:$0x3F9B] =	sst lr;
	_ =	strace $0xD0000000  }
0x3: {  	_ = 	snop  }
0x4: {  	_ = 	snop  }
0x5: {  	_ = 	snop  }
0x6: {  	_ = 	snop  }
0x7: {  	_ = 	snop  }
__scs_overlays_trampoline_lowered:
0x8: {  	[smem:$0x3FAA] =	sst s0  }
0x9: {  	[smem:$0x3FAB] =	sst s1  }
0xa: {  	[smem:$0x3FAC] =	sst s2  }
0xb: {  	[smem:$0x3FAD] =	sst s3  }
0xc: {  	[smem:$0x3FAE] =	sst s4  }
0xd: {  	[smem:$0x3FAF] =	sst s5  }
0xe: {  	[smem:$0x3FB0] =	sst s6  }
0xf: {  	[smem:$0x3FB1] =	sst s7  }
0x10: {  	[smem:$0x3FB2] =	sst s8  }
0x11: {  	[smem:$0x3FB3] =	sst s9;
	s0 =	simm.s32 @!p0 $0x0  }
0x12: {  	s1 =	sld [smem:$0x3F99];
	s0 =	simm.s32 @p0 $0x1  }
0x13: {  	[smem:$0x3FB4] =	sst s0;
	s0 =	simm.s32 @!p1 $0x0  }
0x14: {  	s2 =	sld [smem:$0x3F98];
	s0 =	simm.s32 @p1 $0x1  }
0x15: {  	[smem:$0x3FB5] =	sst s0;
	s0 =	simm.s32 @!p2 $0x0  }
0x16: {  	s3 =	sld [smem:$0x3FDB];
	s0 =	simm.s32 @p2 $0x1  }
0x17: {  	s4 =	simm.s32 $0x1BF5;
	[smem:$0x3FB7] =	sst s0  }
0x18: {  	s0 =	sld [smem:$0x3F9A];
	_ =	swait.ge [sflag:s4], $0x0  }
0x19: {  	s7 =	sld [smem:$0x3F9B]  }
0x1a: {  	s8 =	sadd.s32 $0xFFFFE003, lr  }
0x1b: {  	s9 =	sadd.s32 $0xFFFFFEF7, lr;
	s5 =	simm.s32 $0xFFFFFFFF;
	p2 =	slt.u32 s8, $0xFFFFF086  }
0x1c: {  	p1 =	slt.u32 s9, $0xF7A;
	s5 =	simm.s32 @!p2 $0x0  }
0x1d: {  	s5 =	simm.s32 @p1 $0x1;
	p0 =	seq.s32 s7, s2  }
0x1e: {  	s7 =	smul.u32 @!p0 $0xF7A, s2;
	p2 =	seq.s32 @!p0 s5, $0x0  }
0x1f: {  	s9 =	smul.u32 $0xF7A, s1;
	s8 =	simm.s32 @!p0 $0x1BF5;
	p2 =	por !p2, p0  }
0x20: {  	[sflag:s8] =	ssyncset.s32 @!p0 $0xFFFFF086;
	s6 =	sadd.s32 @!p0 s3, s7;
	s7 =	simm.s32 @!p0 $0x108  }
0x21: {  	s3 =	sadd.s32 s3, s9;
	s6 =	sadd.s32 @!p0 $0x88, s6;
	s7 =	simm.s32 @p2 $0x1082  }
0x22: {  	[simem:s7], [sflag:s8] =	dma.local @!p0 [hbm:s6], $0xF7A  }
0x23: {  	s9 =	sor.u32 $0xD0000000, s2;
	s6 =	simm.s32 $0x108;
	_ =	swait.ge @!p0 [sflag:s8], $0x0  }
0x24: {  	s3 =	sadd.s32 $0x88, s3;
	s6 =	simm.s32 @!p1 $0x1082;
	[sflag:s4] =	ssyncset.s32 $0xFFFFF086  }
0x25: {  	[simem:s6], [sflag:s4] =	dma.local [hbm:s3], $0xF7A  }
0x26: {  	[smem:$0x3F9B] =	sst s1;
	(tag) =	ssettag s2;
	_ =	strace s9  }
0x27: {  	s1 =	sld [smem:$0x3FAB]  }
0x28: {  	s2 =	sld [smem:$0x3FAC]  }
0x29: {  	s4 =	sld [smem:$0x3FAE]  }
0x2a: {  	p0 =	seq.s32 s5, $0x0;
	s5 =	sld [smem:$0x3FAF]  }
0x2b: {  	s6 =	sld [smem:$0x3FB0]  }
0x2c: {  	s7 =	sld [smem:$0x3FB1]  }
0x2d: {  	s3 =	simm.s32 $0x108;
	s8 =	sld [smem:$0x3FB2]  }
0x2e: {  	s3 =	simm.s32 @!p0 $0x1082;
	s9 =	sld [smem:$0x3FB3]  }
0x2f: {  	lr =	sadd.s32 s0, s3;
	s0 =	sld [smem:$0x3FAA]  }
0x30: {  	s3 =	sld [smem:$0x3FAD]  }
0x31: {  	[smem:$0x3FB6] =	sst s10  }
0x32: {  	s10 =	sld [smem:$0x3FB4];
	_ =	sdelay $0x3  }
0x33: {  	p0 =	seq.s32 s10, $0x1;
	s10 =	sld [smem:$0x3FB6];
	_ =	sdelay $0x3  }
0x34: {  	[smem:$0x3FB6] =	sst s10  }
0x35: {  	s10 =	sld [smem:$0x3FB5];
	_ =	sdelay $0x3  }
0x36: {  	p1 =	seq.s32 s10, $0x1;
	s10 =	sld [smem:$0x3FB6];
	_ =	sdelay $0x3  }
0x37: {  	[smem:$0x3FB6] =	sst s10  }
0x38: {  	s10 =	sld [smem:$0x3FB7]  }
0x39: {  	_ = 	snop;
	(pc) =	sbr.ind lr, $3  }
0x3a: {  	_ = 	snop  }
0x3b: {  	_ = 	snop  }
0x3c: {  	p2 =	seq.s32 s10, $0x1;
	s10 =	sld [smem:$0x3FB6]  }
0x3d: {  	_ =	shalt  }
0x3e: {  	_ =	shalt  }
0x3f: {  	_ =	shalt  }
0x40: {  	_ =	shalt  }
0x41: {  	_ =	shalt  }
0x42: {  	_ =	shalt  }
0x43: {  	_ =	shalt  }
0x44: {  	_ =	shalt  }
0x45: {  	_ =	shalt  }
0x46: {  	_ =	shalt  }
0x47: {  	_ =	shalt  }
0x48: {  	_ =	shalt  }
0x49: {  	_ =	shalt  }
0x4a: {  	_ =	shalt  }
0x4b: {  	_ =	shalt  }
0x4c: {  	_ =	shalt  }
0x4d: {  	_ =	shalt  }
0x4e: {  	_ =	shalt  }
0x4f: {  	_ =	shalt  }
0x50: {  	_ =	shalt  }
0x51: {  	_ =	shalt  }
0x52: {  	_ =	shalt  }
0x53: {  	_ =	shalt  }
0x54: {  	_ =	shalt  }
0x55: {  	_ =	shalt  }
0x56: {  	_ =	shalt  }
0x57: {  	_ =	shalt  }
0x58: {  	_ =	shalt  }
0x59: {  	_ =	shalt  }
0x5a: {  	_ =	shalt  }
0x5b: {  	_ =	shalt  }
0x5c: {  	_ =	shalt  }
0x5d: {  	_ =	shalt  }
0x5e: {  	_ =	shalt  }
0x5f: {  	_ =	shalt  }
0x60: {  	_ =	shalt  }
0x61: {  	_ =	shalt  }
0x62: {  	_ =	shalt  }
0x63: {  	_ =	shalt  }
0x64: {  	_ =	shalt  }
0x65: {  	_ =	shalt  }
0x66: {  	_ =	shalt  }
0x67: {  	_ =	shalt  }
0x68: {  	_ =	shalt  }
0x69: {  	_ =	shalt  }
0x6a: {  	_ =	shalt  }
0x6b: {  	_ =	shalt  }
0x6c: {  	_ =	shalt  }
0x6d: {  	_ =	shalt  }
0x6e: {  	_ =	shalt  }
0x6f: {  	_ =	shalt  }
0x70: {  	_ =	shalt  }
0x71: {  	_ =	shalt  }
0x72: {  	_ =	shalt  }
0x73: {  	_ =	shalt  }
0x74: {  	_ =	shalt  }
0x75: {  	_ =	shalt  }
0x76: {  	_ =	shalt  }
0x77: {  	_ =	shalt  }
0x78: {  	_ =	shalt  }
0x79: {  	_ =	shalt  }
0x7a: {  	_ =	shalt  }
0x7b: {  	_ =	shalt  }
0x7c: {  	_ =	shalt  }
0x7d: {  	_ =	shalt  }
0x7e: {  	_ =	shalt  }
0x7f: {  	_ =	shalt  }
0x80: {  	_ =	shalt  }
0x81: {  	_ =	shalt  }
0x82: {  	_ =	shalt  }
0x83: {  	_ =	shalt  }
0x84: {  	_ =	shalt  }
0x85: {  	_ =	shalt  }
0x86: {  	_ =	shalt  }
0x87: {  	_ =	shalt  }
.Lfunc_end0:
.L_simem_size_0:
called_computation_lowered:
.L_overlay_start_0:
0x88: {  	s2 =	sld [smem:$0x3FD9]  }
0x89: {  	s3 =	sld [smem:$0x3FFE];
	_ =	sdelay $0x1  }
0x8a: {  	s1 =	srdreg.scid  }
0x8b: {  	s0 =	sand.u32 $0x1, s1  }
0x8c: {  	s17 =	sshll.u32 s0, $0xA;
	s2 =	sadd.s32 s3, s2  }
0x8d: {  	s2 =	sadd.s32 s2, s17  }
0x8e: {  	[smem:$0x3FC2] =	sst s2  }
0x8f: {  	_ = 	snop  }
0x90: {  	s2 =	sld [smem:$0x3FD0];
	(tm) =	ssettm $0x1  }
0x91: {  	s18 =	sld [smem:$0x3FFB];
	_ =	sdelay $0x3  }
0x92: {  	_ =	strace s18  }
0x93: {  	s3 =	sld [smem:$0x3FFC];
	_ =	sdelay $0x3  }
0x94: {  	_ =	strace s3  }
0x95: {  	s3 =	sld [smem:$0x3FFD];
	_ =	sdelay $0x3  }
0x96: {  	_ =	strace s3  }
0x97: {  	_ =	strace $0x8FFFFFFF  }
0x98: {  	s19 =	sld [smem:$0x3FDB];
	_ =	sdelay $0x1  }
0x99: {  	s4 =	simm.s32 $_scs_section_size  }
0x9a: {  	s5 =	simm.s32 $_size__tile_overlayer_lowered;
	s6 =	simm.s32 $_tile_overlayer_lowered  }
0x9b: {  	s22 =	simm.s32 $0x1BFF;
	s21 =	sshll.u32 s6, $0x1;
	s3 =	sadd.s32 s4, s19  }
0x9c: {  	s7 =	simm.s32 $0x0;
	s20 =	sshll.u32 s5, $0x1;
	s5 =	sadd.s32 s21, s3  }
0x9d: {  	[timem:s7], [sflag:s22] =	dma.local [hbm:s5], s20  }
0x9e: {  	_ =	swait.ge [sflag:s22], s20  }
0x9f: {  	s4 =	ssub.s32 $0x0, s20;
	[sflag:s22] =	ssyncset.done $0x0  }
0xa0: {  	[sflag:s22] =	ssyncadd.s32 s4;
	_ =	sdelay $0x1  }
0xa1: {  	s23 =	simm.s32 $0x1B8B  }
0xa2: {  	_ =	swait.ge [sflag:s23], $0x1  }
0xa3: {  	[sflag:s23] =	ssyncset.done $0x0  }
0xa4: {  	s25 =	simm.s32 $0x1B8E;
	s24 =	sld [smem:$0x3FFE];
	[sflag:s23] =	ssyncadd.s32 $0xFFFFFFFF  }
0xa5: {  	s26 =	simm.s32 $execute0_lowered;
	[smem:$0x3FD2] =	sst s25  }
0xa6: {  	s5 =	sshll.u32 s26, $0x1;
	_ =	strace $0x80000046;
	[dreg:$0x1] =	wrdreg $0xFFFFFFFF  }
0xa7: {  	s28 =	simm.s32 $_size_execute0_lowered;
	s3 =	sadd.s32 s3, s5;
	[dreg:$0x0] =	wrdreg $0x0  }
0xa8: {  	s5 =	sshll.u32 s28, $0x1;
	[dreg:$0x2] =	wrdreg s3  }
0xa9: {  	[dreg:$0x3] =	wrdreg s5  }
0xaa: {  	[dreg:$0x4] =	wrdreg $0xC0  }
0xab: {  	_ =	task [dreg:s7], $0x5FFFF  }
0xac: {  	[dreg:$0x1] =	wrdreg $0xFFFFFFFF  }
0xad: {  	[dreg:$0x0] =	wrdreg $0x60  }
0xae: {  	[dreg:$0x2] =	wrdreg s24  }
0xaf: {  	[dreg:$0x3] =	wrdreg s2  }
0xb0: {  	[dreg:$0x4] =	wrdreg $0x168000  }
0xb1: {  	[dreg:$0x5] =	wrdreg $0x9  }
0xb2: {  	_ =	task.clear_ibuf [dreg:s7], $0x6FFFF;
	_ =	strace $0x90000046  }
0xb3: {  	s29 =	simm.s32 $0x9;
	_ =	strace $0x80000048  }
0xb4: {  	_ =	swait.ge [sflag:s29], $0x1  }
0xb5: {  	[sflag:s29] =	ssyncadd.s32 $0xFFFFFFFF  }
0xb6: {  	_ =	strace $0x90000048  }
0xb7: {  	_ =	sfence  }
0xb8: {  	s30 =	sld [smem:$0x0];
	_ =	sdelay $0x2  }
0xb9: {  	s31 =	sshll.u32 s1, $0xD;
	s1 =	sshrl.u32 s1, $0x2  }
0xba: {  	s3 =	sand.u32 $0x4000, s31;
	s1 =	sadd.s32 s1, s30  }
0xbb: {  	s0 =	sor.u32 s3, s0;
	s1 =	sshll.u32 s1, $0x11  }
0xbc: {  	s0 =	sor.u32 s1, s0  }
0xbd: {  	s0 =	sadd.s32 $0x8F2B, s0  }
0xbe: {  	[sflag:s0] =	ssyncadd.remote.s32 $0x1  }
0xbf: {  	_ =	sfence.sel $0xFFFF  }
0xc0: {  	[dreg:$0x0] =	wrdreg $0xFFFFFFFF;
	(pc) =	sbr.abs _section_cstart, $3  }
0xc1: {  	[dreg:$0x1] =	wrdreg $0xFFFFFFFF  }
0xc2: {  	_ =	task.clear_ibuf [dreg:s7], $0x2FFFF;
	_ =	strace $0x9FFFFFFF  }
0xc3: {  	(tm) =	ssettm $0x7FFFFFFF  }
tec
execute0_lowered:
.L_overlay_start_1:
0x0: {  	(tag) =	ssettag $0x1  }
0x1: {  	s14 =	rddreg [dreg:$0x0]  }
0x2: {  	s4 =	rddreg [dreg:$0x1]  }
0x3: {  	s2 =	rddreg [dreg:$0x2]  }
0x4: {  	s0 =	rddreg [dreg:$0x3]  }
0x5: {  	s5 =	srdreg.scid;
	s1 =	stileid.u32  }
0x6: {  	s3 =	simm.s32 $0x0;
	s15 =	sand.u32 $0x1, s5;
	s28 =	sshll.u32 s1, $0x1  }
0x7: {  	s6 =	smul.u32 $0x1388, s1;
	[smem:$0x7FF] =	sst s3;
	s30 =	sshll.u32 s1, $0x6  }
0x8: {  	s16 =	sor.u32 s15, s28;
	_ =	strace $0x80000047;
	s5 =	sor.u32 $0x1C02, s30  }
0x9: {  	s8 =	smul.u32 $0x280, s16;
	s29 =	sshrl.u32 s6, $0x3;
	s6 =	sadd.s32 s6, s2  }
0xa: {  	s4 =	sadd.s32 s4, s29;
	s7 =	sshrl.u32 s6, $0x3;
	s6 =	simm.s32 $0x2  }
0xb: {  	[spmem:s7], [sflag:s5] =	dma.local [hbm:s4], $0x271  }
0xc: {  	_ =	swait.ge [sflag:s6], $0x271  }
0xd: {  	s9 =	sadd.s32 s8, s14;
	[sflag:s6] =	ssyncset.done $0x0  }
0xe: {  	s8 =	sadd.s32 $0x2400, s9;
	[sflag:s6] =	ssyncadd.s32 $0xFFFFFD8F  }
0xf: {  	[tilespmem:s3], [sflag:$0x2] =	stream.linear.gather [hbm4b:s8+s3], $0x1400, $0x38;
	[tilespmem:$0x17B88] =	vst v63  }
0x10: {  	_ =	swait.ge [sflag:s6], $0x1400  }
0x11: {  	[sflag:s6] =	ssyncset.done $0x0  }
0x12: {  	s10 =	simm.s32 $0x1400;
	s9 =	sadd.s32 $0x7400, s9;
	[sflag:s6] =	ssyncadd.s32 $0xFFFFEC00  }
0x13: {  	[tilespmem:s10], [sflag:$0x2] =	stream.linear.gather [hbm4b:s9+s3], $0x1400, $0x38;
	[tilespmem:$0x17B88] =	vst v63  }
0x14: {  	_ =	swait.ge [sflag:s6], $0x1400  }
0x15: {  	[sflag:s6] =	ssyncset.done $0x0  }
0x16: {  	[sflag:s6] =	ssyncadd.s32 $0xFFFFEC00  }
0x17: {  	s11 =	simm.s32 $0x2800;
	[bflag:$0x0] =	sbarrier.arrive $0xFFFF  }
0x18: {  	[tilespmem:s11], [sflag:$0x1] =	stream.indirect.gather [spmem:s2], $0x8, s3, s10, $0xb8;
	[tilespmem:$0x17B88] =	vst v63  }
0x19: {  	s12 =	simm.s32 $0xC800;
	s13 =	simm.s32 $0x1  }
0x1a: {  	[tilespmem:s12], [sflag:$0x1] =	stream.indirect.gather [spmem:s2], $0x8, s10, s10, $0xb8;
	[tilespmem:$0x17B88] =	vst v63  }
0x1b: {  	_ =	swait.ge [sflag:s13], $0xA000  }
0x1c: {  	[sflag:s13] =	ssyncset.done $0x0  }
0x1d: {  	s15 =	ssub.s32 $0x2, s15;
	s16 =	smul.u32 $0x1400, s16;
	[sflag:s13] =	ssyncadd.s32 $0xFFFF6000  }
0x1e: {  	s17 =	sshrl.u32 s15, $0x1;
	_ =	swait.ge [sflag:s13], $0xA000  }
0x1f: {  	s17 =	ssub.s32 s15, s17;
	s16 =	sadd.s32 s16, s14;
	[sflag:s13] =	ssyncset.done $0x0  }
0x20: {  	s31 =	smax.u32 s17, $0x1;
	s14 =	sadd.s32 $0xC400, s16;
	[sflag:s13] =	ssyncadd.s32 $0xFFFF6000  }
0x21: {  	[hbm4b:s14+s3] =	stream.linear.scatter [tilespmem:s11], [sflag:$0x2], $0xA000, $0x38;
	[tilespmem:$0x17B88] =	vst v63  }
0x22: {  	p0 =	sne.s32 s31, $0x1;
	_ =	swait.ge [sflag:s6], $0xA000  }
.Ltmp0:
0x23: {  	[sflag:s6] =	ssyncset.done $0x0;
	(pc) =	sbr.rel @!p0 .LBB2_2-.Ltmp0, $4  }
0x24: {  	s15 =	sadd.s32 $0x34400, s16;
	[sflag:s6] =	ssyncadd.s32 $0xFFFF6000  }
0x25: {  	[hbm4b:s15+s3] =	stream.linear.scatter [tilespmem:s12], [sflag:$0x2], $0xA000, $0x38;
	[tilespmem:$0x17B88] =	vst v63  }
0x26: {  	_ =	swait.ge [sflag:s6], $0xA000  }
0x27: {  	s16 =	sadd.s32 $0xFFFFFFFF, s31;
	[sflag:s6] =	ssyncset.done $0x0  }
.LBB2_1:
0x28: {  	p0 =	sne.s32 s16, $0x1;
	s16 =	sadd.s32 $0xFFFFFFFF, s16;
	[sflag:s6] =	ssyncadd.s32 $0xFFFF6000  }
0x29: {  	[spmem:s7], [sflag:s5] =	dma.local [hbm:s4], $0x271  }
0x2a: {  	_ =	swait.ge [sflag:s6], $0x271  }
0x2b: {  	[sflag:s6] =	ssyncset.done $0x0  }
0x2c: {  	[sflag:s6] =	ssyncadd.s32 $0xFFFFFD8F  }
0x2d: {  	[tilespmem:s3], [sflag:$0x2] =	stream.linear.gather [hbm4b:s8+s3], $0x1400, $0x38;
	[tilespmem:$0x17B88] =	vst v63  }
0x2e: {  	_ =	swait.ge [sflag:s6], $0x1400  }
0x2f: {  	[sflag:s6] =	ssyncset.done $0x0  }
0x30: {  	[sflag:s6] =	ssyncadd.s32 $0xFFFFEC00  }
0x31: {  	[tilespmem:s10], [sflag:$0x2] =	stream.linear.gather [hbm4b:s9+s3], $0x1400, $0x38;
	[tilespmem:$0x17B88] =	vst v63  }
0x32: {  	_ =	swait.ge [sflag:s6], $0x1400  }
0x33: {  	[sflag:s6] =	ssyncset.done $0x0  }
0x34: {  	[sflag:s6] =	ssyncadd.s32 $0xFFFFEC00  }
0x35: {  	[bflag:$0x0] =	sbarrier.arrive $0xFFFF  }
0x36: {  	[tilespmem:s11], [sflag:$0x1] =	stream.indirect.gather [spmem:s2], $0x8, s3, s10, $0xb8;
	[tilespmem:$0x17B88] =	vst v63  }
0x37: {  	_ = 	snop  }
0x38: {  	[tilespmem:s12], [sflag:$0x1] =	stream.indirect.gather [spmem:s2], $0x8, s10, s10, $0xb8;
	[tilespmem:$0x17B88] =	vst v63  }
0x39: {  	_ =	swait.ge [sflag:s13], $0xA000  }
0x3a: {  	[sflag:s13] =	ssyncset.done $0x0  }
0x3b: {  	[sflag:s13] =	ssyncadd.s32 $0xFFFF6000  }
0x3c: {  	_ =	swait.ge [sflag:s13], $0xA000  }
0x3d: {  	[sflag:s13] =	ssyncset.done $0x0  }
0x3e: {  	[sflag:s13] =	ssyncadd.s32 $0xFFFF6000  }
0x3f: {  	[hbm4b:s14+s3] =	stream.linear.scatter [tilespmem:s11], [sflag:$0x2], $0xA000, $0x38;
	[tilespmem:$0x17B88] =	vst v63  }
0x40: {  	_ =	swait.ge [sflag:s6], $0xA000  }
.Ltmp1:
0x41: {  	[sflag:s6] =	ssyncset.done $0x0;
	(pc) =	sbr.rel @p0 .LBB2_1-.Ltmp1, $4  }
0x42: {  	[sflag:s6] =	ssyncadd.s32 $0xFFFF6000  }
0x43: {  	[hbm4b:s15+s3] =	stream.linear.scatter [tilespmem:s12], [sflag:$0x2], $0xA000, $0x38;
	[tilespmem:$0x17B88] =	vst v63  }
0x44: {  	_ =	swait.ge [sflag:s6], $0xA000  }
0x45: {  	[sflag:s6] =	ssyncset.done $0x0  }
.LBB2_2:
0x46: {  	[sflag:s6] =	ssyncadd.s32 $0xFFFF6000  }
0x47: {  	_ =	sfence.sel $0x180000  }
0x48: {  	[bflag:$0x0] =	sbarrier.arrive $0xFFFF  }
0x49: {  	p0 =	sne.s32 s1, $0x0;
	_ =	strace $0x90000047  }
0x4a: {  	s0 =	sadd.s32 @!p0 $0x100000, s0;
	[bflag:$0x2] =	sbarrier.arrive $0xFFFF  }
0x4b: {  	[sflag:s0] =	ssyncadd.tile.s32 @!p0 $0x1;
	_ =	shalt  }
.Lfunc_end2:
_tile_overlayer_lowered:
.L_overlay_start_2:
0x4c: {  	(tag) =	ssettag $0x2  }
0x4d: {  	s0 =	rddreg [dreg:$0x0];
	s2 =	stileid.u32  }
0x4e: {  	s1 =	rddreg [dreg:$0x1];
	p0 =	sne.s32 s2, $0x0  }
0x4f: {  	s3 =	rddreg [dreg:$0x2];
	[bflag:$0x3] =	sbarrier.arrive $0xFFFF;
	s2 =	simm.s32 @!p0 $0x1C02  }
0x50: {  	[timem:s3], [sflag:s2] =	dma.local @!p0 [hbm:s0], s1  }
0x51: {  	s0 =	simm.s32 @!p0 $0x2  }
0x52: {  	_ =	swait.ge @!p0 [sflag:s0], s1  }
0x53: {  	s1 =	ssub.s32 @!p0 $0x0, s1;
	[sflag:s0] =	ssyncset.done @!p0 $0x0  }
0x54: {  	[sflag:s0] =	ssyncadd.s32 @!p0 s1  }
0x55: {  	[bflag:$0x3] =	sbarrier.arrive $0xFFFF  }
0x56: {  	_ =	shalt  }

// kernel: kernel.9.cloned.1.call-start
scs
__scs_entry_jumppad:
0x0: {  	(pc) =	sbr.rel $0x88, $3  }
0x1: {  	(tag) =	ssettag $0x0;
	lr =	simm.s32 $0x1  }
0x2: {  	[smem:$0x3F9B] =	sst lr;
	_ =	strace $0xD0000000  }
0x3: {  	_ = 	snop  }
0x4: {  	_ = 	snop  }
0x5: {  	_ = 	snop  }
0x6: {  	_ = 	snop  }
0x7: {  	_ = 	snop  }
__scs_overlays_trampoline_lowered:
0x8: {  	[smem:$0x3FAA] =	sst s0  }
0x9: {  	[smem:$0x3FAB] =	sst s1  }
0xa: {  	[smem:$0x3FAC] =	sst s2  }
0xb: {  	[smem:$0x3FAD] =	sst s3  }
0xc: {  	[smem:$0x3FAE] =	sst s4  }
0xd: {  	[smem:$0x3FAF] =	sst s5  }
0xe: {  	[smem:$0x3FB0] =	sst s6  }
0xf: {  	[smem:$0x3FB1] =	sst s7  }
0x10: {  	[smem:$0x3FB2] =	sst s8  }
0x11: {  	[smem:$0x3FB3] =	sst s9;
	s0 =	simm.s32 @!p0 $0x0  }
0x12: {  	s1 =	sld [smem:$0x3F99];
	s0 =	simm.s32 @p0 $0x1  }
0x13: {  	[smem:$0x3FB4] =	sst s0;
	s0 =	simm.s32 @!p1 $0x0  }
0x14: {  	s2 =	sld [smem:$0x3F98];
	s0 =	simm.s32 @p1 $0x1  }
0x15: {  	[smem:$0x3FB5] =	sst s0;
	s0 =	simm.s32 @!p2 $0x0  }
0x16: {  	s3 =	sld [smem:$0x3FDB];
	s0 =	simm.s32 @p2 $0x1  }
0x17: {  	s4 =	simm.s32 $0x1BF5;
	[smem:$0x3FB7] =	sst s0  }
0x18: {  	s0 =	sld [smem:$0x3F9A];
	_ =	swait.ge [sflag:s4], $0x0  }
0x19: {  	s7 =	sld [smem:$0x3F9B]  }
0x1a: {  	s8 =	sadd.s32 $0xFFFFE003, lr  }
0x1b: {  	s9 =	sadd.s32 $0xFFFFFEF7, lr;
	s5 =	simm.s32 $0xFFFFFFFF;
	p2 =	slt.u32 s8, $0xFFFFF086  }
0x1c: {  	p1 =	slt.u32 s9, $0xF7A;
	s5 =	simm.s32 @!p2 $0x0  }
0x1d: {  	s5 =	simm.s32 @p1 $0x1;
	p0 =	seq.s32 s7, s2  }
0x1e: {  	s7 =	smul.u32 @!p0 $0xF7A, s2;
	p2 =	seq.s32 @!p0 s5, $0x0  }
0x1f: {  	s9 =	smul.u32 $0xF7A, s1;
	s8 =	simm.s32 @!p0 $0x1BF5;
	p2 =	por !p2, p0  }
0x20: {  	[sflag:s8] =	ssyncset.s32 @!p0 $0xFFFFF086;
	s6 =	sadd.s32 @!p0 s3, s7;
	s7 =	simm.s32 @!p0 $0x108  }
0x21: {  	s3 =	sadd.s32 s3, s9;
	s6 =	sadd.s32 @!p0 $0x88, s6;
	s7 =	simm.s32 @p2 $0x1082  }
0x22: {  	[simem:s7], [sflag:s8] =	dma.local @!p0 [hbm:s6], $0xF7A  }
0x23: {  	s9 =	sor.u32 $0xD0000000, s2;
	s6 =	simm.s32 $0x108;
	_ =	swait.ge @!p0 [sflag:s8], $0x0  }
0x24: {  	s3 =	sadd.s32 $0x88, s3;
	s6 =	simm.s32 @!p1 $0x1082;
	[sflag:s4] =	ssyncset.s32 $0xFFFFF086  }
0x25: {  	[simem:s6], [sflag:s4] =	dma.local [hbm:s3], $0xF7A  }
0x26: {  	[smem:$0x3F9B] =	sst s1;
	(tag) =	ssettag s2;
	_ =	strace s9  }
0x27: {  	s1 =	sld [smem:$0x3FAB]  }
0x28: {  	s2 =	sld [smem:$0x3FAC]  }
0x29: {  	s4 =	sld [smem:$0x3FAE]  }
0x2a: {  	p0 =	seq.s32 s5, $0x0;
	s5 =	sld [smem:$0x3FAF]  }
0x2b: {  	s6 =	sld [smem:$0x3FB0]  }
0x2c: {  	s7 =	sld [smem:$0x3FB1]  }
0x2d: {  	s3 =	simm.s32 $0x108;
	s8 =	sld [smem:$0x3FB2]  }
0x2e: {  	s3 =	simm.s32 @!p0 $0x1082;
	s9 =	sld [smem:$0x3FB3]  }
0x2f: {  	lr =	sadd.s32 s0, s3;
	s0 =	sld [smem:$0x3FAA]  }
0x30: {  	s3 =	sld [smem:$0x3FAD]  }
0x31: {  	[smem:$0x3FB6] =	sst s10  }
0x32: {  	s10 =	sld [smem:$0x3FB4];
	_ =	sdelay $0x3  }
0x33: {  	p0 =	seq.s32 s10, $0x1;
	s10 =	sld [smem:$0x3FB6];
	_ =	sdelay $0x3  }
0x34: {  	[smem:$0x3FB6] =	sst s10  }
0x35: {  	s10 =	sld [smem:$0x3FB5];
	_ =	sdelay $0x3  }
0x36: {  	p1 =	seq.s32 s10, $0x1;
	s10 =	sld [smem:$0x3FB6];
	_ =	sdelay $0x3  }
0x37: {  	[smem:$0x3FB6] =	sst s10  }
0x38: {  	s10 =	sld [smem:$0x3FB7]  }
0x39: {  	_ = 	snop;
	(pc) =	sbr.ind lr, $3  }
0x3a: {  	_ = 	snop  }
0x3b: {  	_ = 	snop  }
0x3c: {  	p2 =	seq.s32 s10, $0x1;
	s10 =	sld [smem:$0x3FB6]  }
0x3d: {  	_ =	shalt  }
0x3e: {  	_ =	shalt  }
0x3f: {  	_ =	shalt  }
0x40: {  	_ =	shalt  }
0x41: {  	_ =	shalt  }
0x42: {  	_ =	shalt  }
0x43: {  	_ =	shalt  }
0x44: {  	_ =	shalt  }
0x45: {  	_ =	shalt  }
0x46: {  	_ =	shalt  }
0x47: {  	_ =	shalt  }
0x48: {  	_ =	shalt  }
0x49: {  	_ =	shalt  }
0x4a: {  	_ =	shalt  }
0x4b: {  	_ =	shalt  }
0x4c: {  	_ =	shalt  }
0x4d: {  	_ =	shalt  }
0x4e: {  	_ =	shalt  }
0x4f: {  	_ =	shalt  }
0x50: {  	_ =	shalt  }
0x51: {  	_ =	shalt  }
0x52: {  	_ =	shalt  }
0x53: {  	_ =	shalt  }
0x54: {  	_ =	shalt  }
0x55: {  	_ =	shalt  }
0x56: {  	_ =	shalt  }
0x57: {  	_ =	shalt  }
0x58: {  	_ =	shalt  }
0x59: {  	_ =	shalt  }
0x5a: {  	_ =	shalt  }
0x5b: {  	_ =	shalt  }
0x5c: {  	_ =	shalt  }
0x5d: {  	_ =	shalt  }
0x5e: {  	_ =	shalt  }
0x5f: {  	_ =	shalt  }
0x60: {  	_ =	shalt  }
0x61: {  	_ =	shalt  }
0x62: {  	_ =	shalt  }
0x63: {  	_ =	shalt  }
0x64: {  	_ =	shalt  }
0x65: {  	_ =	shalt  }
0x66: {  	_ =	shalt  }
0x67: {  	_ =	shalt  }
0x68: {  	_ =	shalt  }
0x69: {  	_ =	shalt  }
0x6a: {  	_ =	shalt  }
0x6b: {  	_ =	shalt  }
0x6c: {  	_ =	shalt  }
0x6d: {  	_ =	shalt  }
0x6e: {  	_ =	shalt  }
0x6f: {  	_ =	shalt  }
0x70: {  	_ =	shalt  }
0x71: {  	_ =	shalt  }
0x72: {  	_ =	shalt  }
0x73: {  	_ =	shalt  }
0x74: {  	_ =	shalt  }
0x75: {  	_ =	shalt  }
0x76: {  	_ =	shalt  }
0x77: {  	_ =	shalt  }
0x78: {  	_ =	shalt  }
0x79: {  	_ =	shalt  }
0x7a: {  	_ =	shalt  }
0x7b: {  	_ =	shalt  }
0x7c: {  	_ =	shalt  }
0x7d: {  	_ =	shalt  }
0x7e: {  	_ =	shalt  }
0x7f: {  	_ =	shalt  }
0x80: {  	_ =	shalt  }
0x81: {  	_ =	shalt  }
0x82: {  	_ =	shalt  }
0x83: {  	_ =	shalt  }
0x84: {  	_ =	shalt  }
0x85: {  	_ =	shalt  }
0x86: {  	_ =	shalt  }
0x87: {  	_ =	shalt  }
.Lfunc_end0:
.L_simem_size_0:
called_computation.1_lowered:
.L_overlay_start_0:
0x88: {  	s2 =	sld [smem:$0x3FD9]  }
0x89: {  	s3 =	sld [smem:$0x3FFE];
	_ =	sdelay $0x1  }
0x8a: {  	s1 =	srdreg.scid  }
0x8b: {  	s0 =	sand.u32 $0x1, s1  }
0x8c: {  	s17 =	sshll.u32 s0, $0xA;
	s2 =	sadd.s32 s3, s2  }
0x8d: {  	s2 =	sadd.s32 s2, s17  }
0x8e: {  	[smem:$0x3FC2] =	sst s2  }
0x8f: {  	_ = 	snop  }
0x90: {  	s2 =	sld [smem:$0x3FD0];
	(tm) =	ssettm $0x1  }
0x91: {  	s18 =	sld [smem:$0x3FFB];
	_ =	sdelay $0x3  }
0x92: {  	_ =	strace s18  }
0x93: {  	s3 =	sld [smem:$0x3FFC];
	_ =	sdelay $0x3  }
0x94: {  	_ =	strace s3  }
0x95: {  	s3 =	sld [smem:$0x3FFD];
	_ =	sdelay $0x3  }
0x96: {  	_ =	strace s3  }
0x97: {  	_ =	strace $0x8FFFFFFF  }
0x98: {  	s19 =	sld [smem:$0x3FDB];
	_ =	sdelay $0x1  }
0x99: {  	s4 =	simm.s32 $_scs_section_size  }
0x9a: {  	s5 =	simm.s32 $_size__tile_overlayer_lowered;
	s6 =	simm.s32 $_tile_overlayer_lowered  }
0x9b: {  	s22 =	simm.s32 $0x1BFF;
	s21 =	sshll.u32 s6, $0x1;
	s3 =	sadd.s32 s4, s19  }
0x9c: {  	s7 =	simm.s32 $0x0;
	s20 =	sshll.u32 s5, $0x1;
	s5 =	sadd.s32 s21, s3  }
0x9d: {  	[timem:s7], [sflag:s22] =	dma.local [hbm:s5], s20  }
0x9e: {  	_ =	swait.ge [sflag:s22], s20  }
0x9f: {  	s4 =	ssub.s32 $0x0, s20;
	[sflag:s22] =	ssyncset.done $0x0  }
0xa0: {  	[sflag:s22] =	ssyncadd.s32 s4;
	_ =	sdelay $0x1  }
0xa1: {  	s23 =	simm.s32 $0x1B8B  }
0xa2: {  	_ =	swait.ge [sflag:s23], $0x1  }
0xa3: {  	[sflag:s23] =	ssyncset.done $0x0  }
0xa4: {  	s25 =	simm.s32 $0x1B8E;
	s24 =	sld [smem:$0x3FFE];
	[sflag:s23] =	ssyncadd.s32 $0xFFFFFFFF  }
0xa5: {  	s26 =	simm.s32 $execute0_lowered;
	[smem:$0x3FD2] =	sst s25  }
0xa6: {  	s5 =	sshll.u32 s26, $0x1;
	_ =	strace $0x80000049;
	[dreg:$0x1] =	wrdreg $0xFFFFFFFF  }
0xa7: {  	s28 =	simm.s32 $_size_execute0_lowered;
	s3 =	sadd.s32 s3, s5;
	[dreg:$0x0] =	wrdreg $0x0  }
0xa8: {  	s5 =	sshll.u32 s28, $0x1;
	[dreg:$0x2] =	wrdreg s3  }
0xa9: {  	[dreg:$0x3] =	wrdreg s5  }
0xaa: {  	[dreg:$0x4] =	wrdreg $0xC0  }
0xab: {  	_ =	task [dreg:s7], $0x5FFFF  }
0xac: {  	[dreg:$0x1] =	wrdreg $0xFFFFFFFF  }
0xad: {  	[dreg:$0x0] =	wrdreg $0x60  }
0xae: {  	[dreg:$0x2] =	wrdreg s24  }
0xaf: {  	[dreg:$0x3] =	wrdreg s2  }
0xb0: {  	[dreg:$0x4] =	wrdreg $0xB4000  }
0xb1: {  	[dreg:$0x5] =	wrdreg $0x9  }
0xb2: {  	_ =	task.clear_ibuf [dreg:s7], $0x6FFFF;
	_ =	strace $0x90000049  }
0xb3: {  	s29 =	simm.s32 $0x9;
	_ =	strace $0x8000004B  }
0xb4: {  	_ =	swait.ge [sflag:s29], $0x1  }
0xb5: {  	[sflag:s29] =	ssyncadd.s32 $0xFFFFFFFF  }
0xb6: {  	_ =	strace $0x9000004B  }
0xb7: {  	_ =	sfence  }
0xb8: {  	s30 =	sld [smem:$0x0];
	_ =	sdelay $0x2  }
0xb9: {  	s31 =	sshll.u32 s1, $0xD;
	s1 =	sshrl.u32 s1, $0x2  }
0xba: {  	s3 =	sand.u32 $0x4000, s31;
	s1 =	sadd.s32 s1, s30  }
0xbb: {  	s0 =	sor.u32 s3, s0;
	s1 =	sshll.u32 s1, $0x11  }
0xbc: {  	s0 =	sor.u32 s1, s0  }
0xbd: {  	s0 =	sadd.s32 $0x8F2B, s0  }
0xbe: {  	[sflag:s0] =	ssyncadd.remote.s32 $0x1  }
0xbf: {  	_ =	sfence.sel $0xFFFF  }
0xc0: {  	[dreg:$0x0] =	wrdreg $0xFFFFFFFF;
	(pc) =	sbr.abs _section_cstart, $3  }
0xc1: {  	[dreg:$0x1] =	wrdreg $0xFFFFFFFF  }
0xc2: {  	_ =	task.clear_ibuf [dreg:s7], $0x2FFFF;
	_ =	strace $0x9FFFFFFF  }
0xc3: {  	(tm) =	ssettm $0x7FFFFFFF  }
tec
execute0_lowered:
.L_overlay_start_1:
0x0: {  	(tag) =	ssettag $0x1  }
0x1: {  	s4 =	rddreg [dreg:$0x0]  }
0x2: {  	s1 =	srdreg.scid;
	s5 =	rddreg [dreg:$0x1]  }
0x3: {  	s0 =	stileid.u32;
	s2 =	rddreg [dreg:$0x2];
	s3 =	simm.s32 $0x0  }
0x4: {  	s6 =	sand.u32 $0x1, s1;
	s29 =	sshll.u32 s0, $0x1;
	s10 =	smul.u32 $0x1388, s0  }
0x5: {  	s1 =	rddreg [dreg:$0x3];
	s7 =	sor.u32 s6, s29;
	s9 =	smul.u32 $0x2710, s6  }
0x6: {  	[smem:$0x7FF] =	sst s3;
	s31 =	sshll.u32 s0, $0x6;
	s8 =	smul.u32 $0x280, s7  }
0x7: {  	_ =	strace $0x8000004A;
	s6 =	ssub.s32 $0x2, s6;
	s7 =	smul.u32 $0x1400, s7  }
0x8: {  	s30 =	sshrl.u32 s6, $0x1;
	s12 =	sshrl.u32 s10, $0x3;
	s10 =	sadd.s32 s10, s2  }
0x9: {  	s9 =	sadd.s32 s9, s4;
	s11 =	ssub.s32 s6, s30;
	s8 =	sadd.s32 s8, s4  }
0xa: {  	s7 =	sadd.s32 s7, s4;
	s4 =	sadd.s32 s5, s12;
	s5 =	sor.u32 $0x1C01, s31  }
0xb: {  	s13 =	sadd.s32 $0x2400, s9;
	s9 =	sshrl.u32 s10, $0x3;
	s10 =	simm.s32 $0x1  }
0xc: {  	s6 =	sadd.s32 $0x7400, s8;
	s7 =	sadd.s32 $0xC400, s7;
	s8 =	smax.u32 s11, $0x1  }
0xd: {  	s11 =	simm.s32 $0x80;
	s12 =	sadd.s32 s12, s13;
	s13 =	simm.s32 $0x0  }
.LBB2_1:
0xe: {  	[spmem:s9], [sflag:s5] =	dma.local [hbm:s4], $0x271  }
0xf: {  	_ =	swait.ge [sflag:s10], $0x271  }
0x10: {  	[sflag:s10] =	ssyncset.done $0x0  }
0x11: {  	[sflag:s10] =	ssyncadd.s32 $0xFFFFFD8F  }
0x12: {  	[tilespmem:s3], [sflag:$0x1] =	stream.linear.gather [hbm4b:s6+s3], $0x1400, $0x38;
	[tilespmem:$0xC788] =	vst v63  }
0x13: {  	_ =	swait.ge [sflag:s10], $0x1400  }
0x14: {  	[sflag:s10] =	ssyncset.done $0x0  }
0x15: {  	s14 =	simm.s32 $0x1400;
	[sflag:s10] =	ssyncadd.s32 $0xFFFFEC00  }
0x16: {  	[tilespmem:s14], [sflag:$0x1] =	stream.linear.gather [hbm4b:s7+s3], $0xA000, $0x38;
	[tilespmem:$0xC788] =	vst v63  }
0x17: {  	_ =	swait.ge [sflag:s10], $0xA000  }
0x18: {  	[sflag:s10] =	ssyncset.done $0x0  }
0x19: {  	[sflag:s10] =	ssyncadd.s32 $0xFFFF6000  }
0x1a: {  	s15 =	simm.s32 $0x0;
	[bflag:$0x0] =	sbarrier.arrive $0xFFFF  }
0x1b: {  	[spmem:s2] =	stream.indirect.scatter.add.f32 [tilespmem:s14], [sflag:$0x1], $0x8, s15, s11, $0xb8;
	[tilespmem:$0xC788] =	vst v63  }
0x1c: {  	_ =	swait.ge [sflag:s10], $0x400  }
0x1d: {  	s15 =	simm.s32 $0x200;
	[sflag:s10] =	ssyncset.done $0x0  }
.LBB2_2:
0x1e: {  	s16 =	sshra.s32 s15, $0x2  }
0x1f: {  	[sflag:s10] =	ssyncadd.s32 $0xFFFFFC00;
	s14 =	sadd.s32 $0x400, s14;
	p0 =	sne.s32 s15, $0x4E00  }
0x20: {  	[spmem:s2] =	stream.indirect.scatter.add.f32 [tilespmem:s14], [sflag:$0x1], $0x8, s16, s11, $0xb8;
	[tilespmem:$0xC788] =	vst v63  }
.Ltmp0:
0x21: {  	_ = 	snop;
	(pc) =	sbr.rel @p0 .LBB2_2-.Ltmp0, $4  }
0x22: {  	_ = 	snop  }
0x23: {  	s15 =	sadd.s32 $0x200, s15  }
0x24: {  	_ =	swait.ge [sflag:s10], $0x400  }
0x25: {  	[sflag:s10] =	ssyncset.done $0x0  }
0x26: {  	s13 =	sadd.s32 $0x1, s13  }
0x27: {  	[sflag:s10] =	ssyncadd.s32 $0xFFFFFC00;
	p0 =	sne.s32 s13, s8  }
.Ltmp1:
0x28: {  	[bflag:$0x0] =	sbarrier.arrive $0xFFFF;
	(pc) =	sbr.rel @p0 .LBB2_1-.Ltmp1, $4  }
0x29: {  	[hbm:s12], [sflag:s5] =	dma.local [spmem:s9], $0x271  }
0x2a: {  	_ =	swait.ge [sflag:s10], $0x271  }
0x2b: {  	[sflag:s10] =	ssyncset.done $0x0  }
0x2c: {  	[sflag:s10] =	ssyncadd.s32 $0xFFFFFD8F  }
0x2d: {  	_ =	sfence.sel $0x180000  }
0x2e: {  	[bflag:$0x0] =	sbarrier.arrive $0xFFFF  }
0x2f: {  	p0 =	sne.s32 s0, $0x0;
	_ =	strace $0x9000004A  }
0x30: {  	s0 =	sadd.s32 @!p0 $0x100000, s1;
	[bflag:$0x2] =	sbarrier.arrive $0xFFFF  }
0x31: {  	[sflag:s0] =	ssyncadd.tile.s32 @!p0 $0x1;
	_ =	shalt  }
.Lfunc_end2:
_tile_overlayer_lowered:
.L_overlay_start_2:
0x32: {  	(tag) =	ssettag $0x2  }
0x33: {  	s0 =	rddreg [dreg:$0x0];
	s2 =	stileid.u32  }
0x34: {  	s1 =	rddreg [dreg:$0x1];
	p0 =	sne.s32 s2, $0x0  }
0x35: {  	s3 =	rddreg [dreg:$0x2];
	[bflag:$0x3] =	sbarrier.arrive $0xFFFF;
	s2 =	simm.s32 @!p0 $0x1C01  }
0x36: {  	[timem:s3], [sflag:s2] =	dma.local @!p0 [hbm:s0], s1  }
0x37: {  	s0 =	simm.s32 @!p0 $0x1  }
0x38: {  	_ =	swait.ge @!p0 [sflag:s0], s1  }
0x39: {  	s1 =	ssub.s32 @!p0 $0x0, s1;
	[sflag:s0] =	ssyncset.done @!p0 $0x0  }
0x3a: {  	[sflag:s0] =	ssyncadd.s32 @!p0 s1  }
0x3b: {  	[bflag:$0x3] =	sbarrier.arrive $0xFFFF  }
0x3c: {  	_ =	shalt  }

</sc_bundles>
